<compile_context>
chip_gen: v7x
topology: tpu7x:2x2x1
jax: 0.10.2.dev20260603
libtpu: 0.0.44.dev20260713+nightly
codegen_flags: <defaults>
</compile_context>

<pallas_src>
import functools

import jax
import jax.numpy as jnp
from jax import lax
from jax.experimental import pallas as pl
from jax.experimental.pallas import tpu as pltpu
from jax.experimental.pallas import tpu_sc as plsc

_CH = 512


def _sc_gather_native(table_t, idx):
    emb, rows = table_t.shape
    (b,) = idx.shape
    info = plsc.get_sparse_core_info()
    nc, ns, nl = info.num_cores, info.num_subcores, info.num_lanes
    nw = nc * ns
    n_chunks = -(-rows // _CH)
    chunks_per_w = -(-n_chunks // nw)
    ch_shift = _CH.bit_length() - 1
    rows_phys = -(-rows // 128) * 128
    tail_len = rows_phys - (n_chunks - 1) * _CH
    mesh = plsc.VectorSubcoreMesh(core_axis_name="c", subcore_axis_name="s")

    @functools.partial(
        pl.kernel,
        mesh=mesh,
        out_type=jax.ShapeDtypeStruct((b + nl, 128), jnp.float32),
        scratch_types=[
            pltpu.VMEM((b,), jnp.int32),
            pltpu.VMEM((b + nl,), jnp.int32),
            pltpu.VMEM((b + nl,), jnp.int32),
            pltpu.VMEM((emb, _CH), jnp.float32),
            pltpu.VMEM((emb, _CH), jnp.float32),
            pltpu.VMEM((nl, 128), jnp.float32),
            pltpu.SemaphoreType.DMA,
            pltpu.SemaphoreType.DMA,
        ],
        compiler_params=pltpu.CompilerParams(
            needs_layout_passes=False, skip_device_barrier=True,
            disable_bounds_checks=True, disable_semaphore_checks=True),
    )
    def gather_kernel(table_hbm, idx_hbm, out_hbm,
                      idx_v, my_pk, grp_pk, chunk0, chunk1, rows_v,
                      sem0, sem1):
        wid = lax.axis_index("s") * nc + lax.axis_index("c")
        lanes = lax.iota(jnp.int32, nl)
        pltpu.sync_copy(idx_hbm, idx_v)
        bufs = (chunk0, chunk1)
        sems = (sem0, sem1)

        def fire(j, bi, do_wait=False):
            c = wid + j * nw
            off = pl.multiple_of(c * _CH, _CH)

            @pl.when(c < n_chunks - 1)
            def _():
                cp = pltpu.make_async_copy(
                    table_hbm.at[:, pl.ds(off, _CH)], bufs[bi], sems[bi])
                cp.wait() if do_wait else cp.start()

            @pl.when(c == n_chunks - 1)
            def _():
                cp = pltpu.make_async_copy(
                    table_hbm.at[:, pl.ds(off, tail_len)],
                    bufs[bi].at[:, pl.ds(0, tail_len)], sems[bi])
                cp.wait() if do_wait else cp.start()

        fire(0, 0)
        fire(1, 1)

        def ph1(g, ncnt):
            vp = idx_v[pl.ds(g * nl, nl)]
            m = ((vp >> ch_shift) & (nw - 1)) == wid
            pk = (vp << 13) | (g * nl + lanes)
            plsc.store_compressed(my_pk.at[pl.ds(ncnt, nl)], pk, mask=m)
            return ncnt + jnp.max(plsc.all_reduce_population_count(m))

        ncnt = lax.fori_loop(0, b // nl, ph1, jnp.int32(0), unroll=4)
        my_pk[pl.ds(ncnt, nl)] = jnp.full(
            (nl,), n_chunks << (13 + ch_shift), jnp.int32)

        def process(j, bi):
            c = wid + j * nw
            fire(j, bi, do_wait=True)

            @pl.when(c < n_chunks)
            def _process():
                chunk_v = bufs[bi]

                def rescan(g, cnt):
                    pk = my_pk[pl.ds(g * nl, nl)]
                    m = (pk >> (13 + ch_shift)) == c
                    plsc.store_compressed(grp_pk.at[pl.ds(cnt, nl)], pk, mask=m)
                    return cnt + jnp.max(plsc.all_reduce_population_count(m))

                cnt = lax.fori_loop(
                    0, (ncnt + nl - 1) // nl, rescan, jnp.int32(0))
                grp_pk[pl.ds(cnt, nl)] = (b + lanes) | jnp.int32(255 << 13)

                def emit(u, _):
                    pk = grp_pk[pl.ds(u * nl, nl)]
                    cols = (pk >> 13) & (_CH - 1)
                    bi_rows = pk & ((1 << 13) - 1)

                    def egrp(eg, __):
                        for ee in range(nl):
                            e_v = jnp.full((nl,), 1, jnp.int32) * (eg * nl + ee)
                            vals = plsc.load_gather(chunk_v, [e_v, cols])
                            plsc.store_scatter(rows_v, [lanes, e_v], vals)
                        return __

                    lax.fori_loop(0, emb // nl, egrp, jnp.int32(0))
                    pltpu.sync_copy(rows_v, out_hbm.at[bi_rows])
                    return _

                lax.fori_loop(0, (cnt + nl - 1) // nl, emit, jnp.int32(0))

        def pair(jp, _):
            j0 = jp * 2
            process(j0, 0)
            fire(j0 + 2, 0)
            process(j0 + 1, 1)
            fire(j0 + 3, 1)
            return _

        lax.fori_loop(0, (chunks_per_w + 1) // 2, pair, jnp.int32(0))
        return None

    return gather_kernel(table_t, idx)


def _proj_body(x1_ref, x2_ref, r_ref, o_ref):
    r = jnp.transpose(r_ref[...][:, :64])[None, :, :]
    x2 = x2_ref[...]
    s = jnp.sum(x2 * r, axis=1, keepdims=True)
    o_ref[...] = x2 - s * r - x1_ref[...]


def _tc_project_t(x1_t, x2_t, r_pad, block_b=1024):
    k, e, b = x2_t.shape
    return pl.pallas_call(
        _proj_body,
        grid=(b // block_b,),
        in_specs=[
            pl.BlockSpec((k, e, block_b), lambda i: (0, 0, i)),
            pl.BlockSpec((k, e, block_b), lambda i: (0, 0, i)),
            pl.BlockSpec((block_b, 128), lambda i: (i, 0)),
        ],
        out_specs=pl.BlockSpec((k, e, block_b), lambda i: (0, 0, i)),
        out_shape=jax.ShapeDtypeStruct((k, e, b), jnp.float32),
    )(x1_t, x2_t, r_pad)


def kernel(x0, x1, x2, rel, norm_vector):
    x1_t = jnp.transpose(x1, (1, 2, 0))
    x2_t = jnp.transpose(x2, (1, 2, 0))
    table_t = jnp.transpose(norm_vector, (1, 0))
    r_pad = _sc_gather_native(table_t, rel.astype(jnp.int32))
    out_t = _tc_project_t(x1_t, x2_t, r_pad)
    return jnp.transpose(out_t, (2, 0, 1))

# --- scband reference (transcript-rebuilt; emitter-appended) ---
"""Pipeline reference for scband-trans-h-48430051229800 (READ-ONLY COPY).

The authoritative reference and input builder live on the scoring server;
editing this copy changes nothing except your own understanding.
"""

import jax, jax.numpy as jnp
import numpy as np

EMB_S = 64
REL_CNT = 100000
N_MODE = 0
B = 4096
K = 20


def setup_inputs(seed: int = 0) -> dict:
    key = jax.random.key(seed)
    k0, k1, k2, k3, k4 = jax.random.split(key, 5)
    x0 = jax.random.normal(k0, (B, K, EMB_S), dtype=jnp.float32)
    x1 = jax.random.normal(k1, (B, K, EMB_S), dtype=jnp.float32)
    x2 = jax.random.normal(k2, (B, K, EMB_S), dtype=jnp.float32)
    rel = jax.random.randint(k3, (B,), 0, REL_CNT, dtype=jnp.int64) if jax.config.jax_enable_x64 else jax.random.randint(k3, (B,), 0, REL_CNT, dtype=jnp.int32)
    norm_vector = jax.random.normal(k4, (REL_CNT, EMB_S), dtype=jnp.float32) * 0.02
    return {"x0": x0, "x1": x1, "x2": x2, "rel": rel, "norm_vector": norm_vector}


def reference(x0, x1, x2, rel, norm_vector):
    # r_norm = self.norm_vector(rel).unsqueeze(1)
    r_norm = jnp.take(norm_vector, rel, axis=0)[:, None, :]  # [B, 1, emb_s]
    # hyperplane projection of head and tail
    x0p = x0 - jnp.sum(x0 * r_norm, axis=-1, keepdims=True) * r_norm
    x2p = x2 - jnp.sum(x2 * r_norm, axis=-1, keepdims=True) * r_norm
    if N_MODE == 0:
        x = x2p - x1
    elif N_MODE == 1:
        x = x2p - x0p
    else:
        x = x0p + x1
    return x

if __name__ == "__main__":
    import jax
    _d = setup_inputs()
    print(jax.jit(kernel)(*tuple(_d.values())))

</pallas_src>

<mosaic_0001>
#map = affine_map<(d0, d1) -> (0, 0)>
#map1 = affine_map<(d0, d1) -> (0)>
module attributes {stable_mosaic.version = 14 : i64} {
  func.func @gather_kernel(%arg0: i32, %arg1: i32, %arg2: memref<64x100000xf32, #tpu.memory_space<hbm>>, %arg3: memref<4096xi32, #tpu.memory_space<hbm>>, %arg4: memref<4112x128xf32, #tpu.memory_space<hbm>>, %arg5: memref<4096xi32, #tpu.memory_space<vmem>>, %arg6: memref<4112xi32, #tpu.memory_space<vmem>>, %arg7: memref<4112xi32, #tpu.memory_space<vmem>>, %arg8: memref<64x512xf32, #tpu.memory_space<vmem>>, %arg9: memref<64x512xf32, #tpu.memory_space<vmem>>, %arg10: memref<16x128xf32, #tpu.memory_space<vmem>>, %arg11: memref<!tpu.dma_semaphore, #tpu.memory_space<semaphore_mem>>, %arg12: memref<!tpu.dma_semaphore, #tpu.memory_space<semaphore_mem>>) attributes {dimension_semantics = [#tpu.dimension_semantics<core_parallel>, #tpu.dimension_semantics<subcore_parallel>], iteration_bounds = array<i64: 2, 16>, scalar_prefetch = 0 : i64, scratch_operands = 8 : i64, tpu.core_type = #tpu.core_type<sc_vector_subcore>, window_params = [{transform_indices = #map}, {transform_indices = #map1}, {transform_indices = #map}]} {
    %mul3A = arith.constant 2 : i32
    %mul3A_0 = arith.muli %arg1, %mul3A : i32
    %add3A = arith.addi %mul3A_0, %arg0 : i32
    %iota3A = tpu.iota {dimensions = array<i32: 0>} : vector<16xi32>
    "tpu.region"() ({
      %run_scoped3A = tpu.sem_alloc : memref<!tpu.dma_semaphore, #tpu.memory_space<semaphore_mem>>
      tpu.enqueue_dma source(%arg3 : memref<4096xi32, #tpu.memory_space<hbm>>) target(%arg5 : memref<4096xi32, #tpu.memory_space<vmem>>) target_semaphore(%run_scoped3A : memref<!tpu.dma_semaphore, #tpu.memory_space<semaphore_mem>>)
      tpu.wait_dma2 semaphore(%run_scoped3A : memref<!tpu.dma_semaphore, #tpu.memory_space<semaphore_mem>>) src(%arg3 : memref<4096xi32, #tpu.memory_space<hbm>>) dst(%arg5 : memref<4096xi32, #tpu.memory_space<vmem>>)
      tpu.yield
    }) : () -> ()
    %add3A_1 = arith.constant 0 : i32
    %add3A_2 = arith.addi %add3A, %add3A_1 : i32
    %mul3A_3 = arith.constant 512 : i32
    %mul3A_4 = arith.muli %add3A_2, %mul3A_3 : i32
    %multiple_of3A = tpu.assume_multiple %mul3A_4, 512 : i32
    %lt3A = arith.constant 195 : i32
    %lt3A_5 = arith.cmpi slt, %add3A_2, %lt3A : i32
    %convert_element_type3A = arith.extui %lt3A_5 : i1 to i32
    %cond3A = arith.constant 0 : i32
    %cond3A_6 = arith.cmpi ne, %convert_element_type3A, %cond3A : i32
    scf.if %cond3A_6 {
      %dma_start3A = arith.constant 0 : i32
      %dma_start3A_40 = tpu.memref_slice %arg2[%dma_start3A, %multiple_of3A] : memref<64x100000xf32, #tpu.memory_space<hbm>> -> memref<64x512xf32, #tpu.memory_space<hbm>>
      %dma_start3A_41 = arith.constant 0 : i32
      %dma_start3A_42 = tpu.memref_slice %arg2[%dma_start3A_41, %multiple_of3A] : memref<64x100000xf32, #tpu.memory_space<hbm>> -> memref<64x512xf32, #tpu.memory_space<hbm>>
      tpu.enqueue_dma source(%dma_start3A_42 : memref<64x512xf32, #tpu.memory_space<hbm>>) target(%arg8 : memref<64x512xf32, #tpu.memory_space<vmem>>) target_semaphore(%arg11 : memref<!tpu.dma_semaphore, #tpu.memory_space<semaphore_mem>>)
    } else {
    }
    %eq3A = arith.constant 195 : i32
    %eq3A_7 = arith.cmpi eq, %add3A_2, %eq3A : i32
    %convert_element_type3A_8 = arith.extui %eq3A_7 : i1 to i32
    %cond3A_9 = arith.constant 0 : i32
    %cond3A_10 = arith.cmpi ne, %convert_element_type3A_8, %cond3A_9 : i32
    scf.if %cond3A_10 {
      %dma_start3A = arith.constant 0 : i32
      %dma_start3A_40 = arith.constant 0 : i32
      %dma_start3A_41 = tpu.memref_slice %arg8[%dma_start3A, %dma_start3A_40] : memref<64x512xf32, #tpu.memory_space<vmem>> -> memref<64x256xf32, #tpu.memory_space<vmem>>
      %dma_start3A_42 = arith.constant 0 : i32
      %dma_start3A_43 = tpu.memref_slice %arg2[%dma_start3A_42, %multiple_of3A] : memref<64x100000xf32, #tpu.memory_space<hbm>> -> memref<64x256xf32, #tpu.memory_space<hbm>>
      %dma_start3A_44 = arith.constant 0 : i32
      %dma_start3A_45 = arith.constant 0 : i32
      %dma_start3A_46 = tpu.memref_slice %arg8[%dma_start3A_44, %dma_start3A_45] : memref<64x512xf32, #tpu.memory_space<vmem>> -> memref<64x256xf32, #tpu.memory_space<vmem>>
      %dma_start3A_47 = arith.constant 0 : i32
      %dma_start3A_48 = tpu.memref_slice %arg2[%dma_start3A_47, %multiple_of3A] : memref<64x100000xf32, #tpu.memory_space<hbm>> -> memref<64x256xf32, #tpu.memory_space<hbm>>
      tpu.enqueue_dma source(%dma_start3A_48 : memref<64x256xf32, #tpu.memory_space<hbm>>) target(%dma_start3A_46 : memref<64x256xf32, #tpu.memory_space<vmem>>) target_semaphore(%arg11 : memref<!tpu.dma_semaphore, #tpu.memory_space<semaphore_mem>>)
    } else {
    }
    %add3A_11 = arith.constant 32 : i32
    %add3A_12 = arith.addi %add3A, %add3A_11 : i32
    %mul3A_13 = arith.constant 512 : i32
    %mul3A_14 = arith.muli %add3A_12, %mul3A_13 : i32
    %multiple_of3A_15 = tpu.assume_multiple %mul3A_14, 512 : i32
    %lt3A_16 = arith.constant 195 : i32
    %lt3A_17 = arith.cmpi slt, %add3A_12, %lt3A_16 : i32
    %convert_element_type3A_18 = arith.extui %lt3A_17 : i1 to i32
    %cond3A_19 = arith.constant 0 : i32
    %cond3A_20 = arith.cmpi ne, %convert_element_type3A_18, %cond3A_19 : i32
    scf.if %cond3A_20 {
      %dma_start3A = arith.constant 0 : i32
      %dma_start3A_40 = tpu.memref_slice %arg2[%dma_start3A, %multiple_of3A_15] : memref<64x100000xf32, #tpu.memory_space<hbm>> -> memref<64x512xf32, #tpu.memory_space<hbm>>
      %dma_start3A_41 = arith.constant 0 : i32
      %dma_start3A_42 = tpu.memref_slice %arg2[%dma_start3A_41, %multiple_of3A_15] : memref<64x100000xf32, #tpu.memory_space<hbm>> -> memref<64x512xf32, #tpu.memory_space<hbm>>
      tpu.enqueue_dma source(%dma_start3A_42 : memref<64x512xf32, #tpu.memory_space<hbm>>) target(%arg9 : memref<64x512xf32, #tpu.memory_space<vmem>>) target_semaphore(%arg12 : memref<!tpu.dma_semaphore, #tpu.memory_space<semaphore_mem>>)
    } else {
    }
    %eq3A_21 = arith.constant 195 : i32
    %eq3A_22 = arith.cmpi eq, %add3A_12, %eq3A_21 : i32
    %convert_element_type3A_23 = arith.extui %eq3A_22 : i1 to i32
    %cond3A_24 = arith.constant 0 : i32
    %cond3A_25 = arith.cmpi ne, %convert_element_type3A_23, %cond3A_24 : i32
    scf.if %cond3A_25 {
      %dma_start3A = arith.constant 0 : i32
      %dma_start3A_40 = arith.constant 0 : i32
      %dma_start3A_41 = tpu.memref_slice %arg9[%dma_start3A, %dma_start3A_40] : memref<64x512xf32, #tpu.memory_space<vmem>> -> memref<64x256xf32, #tpu.memory_space<vmem>>
      %dma_start3A_42 = arith.constant 0 : i32
      %dma_start3A_43 = tpu.memref_slice %arg2[%dma_start3A_42, %multiple_of3A_15] : memref<64x100000xf32, #tpu.memory_space<hbm>> -> memref<64x256xf32, #tpu.memory_space<hbm>>
      %dma_start3A_44 = arith.constant 0 : i32
      %dma_start3A_45 = arith.constant 0 : i32
      %dma_start3A_46 = tpu.memref_slice %arg9[%dma_start3A_44, %dma_start3A_45] : memref<64x512xf32, #tpu.memory_space<vmem>> -> memref<64x256xf32, #tpu.memory_space<vmem>>
      %dma_start3A_47 = arith.constant 0 : i32
      %dma_start3A_48 = tpu.memref_slice %arg2[%dma_start3A_47, %multiple_of3A_15] : memref<64x100000xf32, #tpu.memory_space<hbm>> -> memref<64x256xf32, #tpu.memory_space<hbm>>
      tpu.enqueue_dma source(%dma_start3A_48 : memref<64x256xf32, #tpu.memory_space<hbm>>) target(%dma_start3A_46 : memref<64x256xf32, #tpu.memory_space<vmem>>) target_semaphore(%arg12 : memref<!tpu.dma_semaphore, #tpu.memory_space<semaphore_mem>>)
    } else {
    }
    %scan3A = arith.constant 0 : i32
    %scan3A_26 = arith.constant 0 : i32
    %scan3A_27 = arith.constant 256 : i32
    %scan3A_28 = arith.addi %scan3A_26, %scan3A_27 : i32
    %scan3A_29 = arith.constant 4 : i32
    %scan3A_30 = scf.for %scan3A_40 = %scan3A_26 to %scan3A_28 step %scan3A_29 iter_args(%scan3A_41 = %scan3A) -> (i32)  : i32 {
      %mul3A_42 = arith.constant 16 : i32
      %mul3A_43 = arith.muli %scan3A_40, %mul3A_42 : i32
      %get3A = arith.index_cast %mul3A_43 : i32 to index
      %get3A_44 = tpu.vector_load %arg5[%get3A] {strides = array<i32>} : memref<4096xi32, #tpu.memory_space<vmem>>, vector<16xi32>,
      %shift_right_arithmetic3A = arith.constant 9 : i32
      %shift_right_arithmetic3A_45 = vector.broadcast %shift_right_arithmetic3A : i32 to vector<16xi32>
      %shift_right_arithmetic3A_46 = arith.shrsi %get3A_44, %shift_right_arithmetic3A_45 : vector<16xi32>
      %and3A = arith.constant 31 : i32
      %and3A_47 = vector.broadcast %and3A : i32 to vector<16xi32>
      %and3A_48 = arith.andi %shift_right_arithmetic3A_46, %and3A_47 : vector<16xi32>
      %eq3A_49 = vector.broadcast %add3A : i32 to vector<16xi32>
      %eq3A_50 = arith.cmpi eq, %and3A_48, %eq3A_49 : vector<16xi32>
      %shift_left3A = arith.constant 13 : i32
      %shift_left3A_51 = vector.broadcast %shift_left3A : i32 to vector<16xi32>
      %shift_left3A_52 = arith.shli %get3A_44, %shift_left3A_51 : vector<16xi32>
      %mul3A_53 = arith.constant 16 : i32
      %mul3A_54 = arith.muli %scan3A_40, %mul3A_53 : i32
      %add3A_55 = vector.broadcast %mul3A_54 : i32 to vector<16xi32>
      %add3A_56 = arith.addi %add3A_55, %iota3A : vector<16xi32>
      %or3A = arith.ori %shift_left3A_52, %add3A_56 : vector<16xi32>
      %swap3A_57 = arith.index_cast %scan3A_41 : i32 to index
      %swap3A_58 = tpu.vector_load %arg6[%swap3A_57] masked %eq3A_50 {strides = array<i32>} : memref<4112xi32, #tpu.memory_space<vmem>>, vector<16xi32>, vector<16xi1>
      tpu.vector_store %arg6[%swap3A_57], %or3A masked %eq3A_50 {strides = array<i32>} : memref<4112xi32, #tpu.memory_space<vmem>>, vector<16xi32>, vector<16xi1>
      %all_reduce_population_count3A = tpu.all_reduce %eq3A_50 {dim = 0 : i64, kind = #tpu.reduction_kind<sum>} : vector<16xi1> -> vector<16xi32>
      %reduce_max3A = arith.constant true
      %reduce_max3A_59 = vector.broadcast %reduce_max3A : i1 to vector<16xi1>
      %reduce_max3A_60 = arith.constant -2147483648 : i32
      %reduce_max3A_61 = vector.broadcast %reduce_max3A_60 : i32 to vector<16xi32>
      %reduce_max3A_62 = arith.xori %all_reduce_population_count3A, %reduce_max3A_61 : vector<16xi32>
      %reduce_max3A_63 = tpu.scan <max>, %reduce_max3A_62 masked %reduce_max3A_59 : vector<16xi32>, vector<16xi1> -> vector<16xi32>
      %reduce_max3A_64 = arith.xori %reduce_max3A_63, %reduce_max3A_61 : vector<16xi32>
      %reduce_max3A_65 = vector.extract %reduce_max3A_64[15] : i32 from vector<16xi32>
      %add3A_66 = arith.addi %scan3A_41, %reduce_max3A_65 : i32
      %scan3A_67 = arith.constant 1 : i32
      %scan3A_68 = arith.addi %scan3A_40, %scan3A_67 : i32
      %mul3A_69 = arith.constant 16 : i32
      %mul3A_70 = arith.muli %scan3A_68, %mul3A_69 : i32
      %get3A_71 = arith.index_cast %mul3A_70 : i32 to index
      %get3A_72 = tpu.vector_load %arg5[%get3A_71] {strides = array<i32>} : memref<4096xi32, #tpu.memory_space<vmem>>, vector<16xi32>,
      %shift_right_arithmetic3A_73 = arith.constant 9 : i32
      %shift_right_arithmetic3A_74 = vector.broadcast %shift_right_arithmetic3A_73 : i32 to vector<16xi32>
      %shift_right_arithmetic3A_75 = arith.shrsi %get3A_72, %shift_right_arithmetic3A_74 : vector<16xi32>
      %and3A_76 = arith.constant 31 : i32
      %and3A_77 = vector.broadcast %and3A_76 : i32 to vector<16xi32>
      %and3A_78 = arith.andi %shift_right_arithmetic3A_75, %and3A_77 : vector<16xi32>
      %eq3A_79 = vector.broadcast %add3A : i32 to vector<16xi32>
      %eq3A_80 = arith.cmpi eq, %and3A_78, %eq3A_79 : vector<16xi32>
      %shift_left3A_81 = arith.constant 13 : i32
      %shift_left3A_82 = vector.broadcast %shift_left3A_81 : i32 to vector<16xi32>
      %shift_left3A_83 = arith.shli %get3A_72, %shift_left3A_82 : vector<16xi32>
      %mul3A_84 = arith.constant 16 : i32
      %mul3A_85 = arith.muli %scan3A_68, %mul3A_84 : i32
      %add3A_86 = vector.broadcast %mul3A_85 : i32 to vector<16xi32>
      %add3A_87 = arith.addi %add3A_86, %iota3A : vector<16xi32>
      %or3A_88 = arith.ori %shift_left3A_83, %add3A_87 : vector<16xi32>
      %swap3A_89 = arith.index_cast %add3A_66 : i32 to index
      %swap3A_90 = tpu.vector_load %arg6[%swap3A_89] masked %eq3A_80 {strides = array<i32>} : memref<4112xi32, #tpu.memory_space<vmem>>, vector<16xi32>, vector<16xi1>
      tpu.vector_store %arg6[%swap3A_89], %or3A_88 masked %eq3A_80 {strides = array<i32>} : memref<4112xi32, #tpu.memory_space<vmem>>, vector<16xi32>, vector<16xi1>
      %all_reduce_population_count3A_91 = tpu.all_reduce %eq3A_80 {dim = 0 : i64, kind = #tpu.reduction_kind<sum>} : vector<16xi1> -> vector<16xi32>
      %reduce_max3A_92 = arith.constant true
      %reduce_max3A_93 = vector.broadcast %reduce_max3A_92 : i1 to vector<16xi1>
      %reduce_max3A_94 = arith.constant -2147483648 : i32
      %reduce_max3A_95 = vector.broadcast %reduce_max3A_94 : i32 to vector<16xi32>
      %reduce_max3A_96 = arith.xori %all_reduce_population_count3A_91, %reduce_max3A_95 : vector<16xi32>
      %reduce_max3A_97 = tpu.scan <max>, %reduce_max3A_96 masked %reduce_max3A_93 : vector<16xi32>, vector<16xi1> -> vector<16xi32>
      %reduce_max3A_98 = arith.xori %reduce_max3A_97, %reduce_max3A_95 : vector<16xi32>
      %reduce_max3A_99 = vector.extract %reduce_max3A_98[15] : i32 from vector<16xi32>
      %add3A_100 = arith.addi %add3A_66, %reduce_max3A_99 : i32
      %scan3A_101 = arith.constant 2 : i32
      %scan3A_102 = arith.addi %scan3A_40, %scan3A_101 : i32
      %mul3A_103 = arith.constant 16 : i32
      %mul3A_104 = arith.muli %scan3A_102, %mul3A_103 : i32
      %get3A_105 = arith.index_cast %mul3A_104 : i32 to index
      %get3A_106 = tpu.vector_load %arg5[%get3A_105] {strides = array<i32>} : memref<4096xi32, #tpu.memory_space<vmem>>, vector<16xi32>,
      %shift_right_arithmetic3A_107 = arith.constant 9 : i32
      %shift_right_arithmetic3A_108 = vector.broadcast %shift_right_arithmetic3A_107 : i32 to vector<16xi32>
      %shift_right_arithmetic3A_109 = arith.shrsi %get3A_106, %shift_right_arithmetic3A_108 : vector<16xi32>
      %and3A_110 = arith.constant 31 : i32
      %and3A_111 = vector.broadcast %and3A_110 : i32 to vector<16xi32>
      %and3A_112 = arith.andi %shift_right_arithmetic3A_109, %and3A_111 : vector<16xi32>
      %eq3A_113 = vector.broadcast %add3A : i32 to vector<16xi32>
      %eq3A_114 = arith.cmpi eq, %and3A_112, %eq3A_113 : vector<16xi32>
      %shift_left3A_115 = arith.constant 13 : i32
      %shift_left3A_116 = vector.broadcast %shift_left3A_115 : i32 to vector<16xi32>
      %shift_left3A_117 = arith.shli %get3A_106, %shift_left3A_116 : vector<16xi32>
      %mul3A_118 = arith.constant 16 : i32
      %mul3A_119 = arith.muli %scan3A_102, %mul3A_118 : i32
      %add3A_120 = vector.broadcast %mul3A_119 : i32 to vector<16xi32>
      %add3A_121 = arith.addi %add3A_120, %iota3A : vector<16xi32>
      %or3A_122 = arith.ori %shift_left3A_117, %add3A_121 : vector<16xi32>
      %swap3A_123 = arith.index_cast %add3A_100 : i32 to index
      %swap3A_124 = tpu.vector_load %arg6[%swap3A_123] masked %eq3A_114 {strides = array<i32>} : memref<4112xi32, #tpu.memory_space<vmem>>, vector<16xi32>, vector<16xi1>
      tpu.vector_store %arg6[%swap3A_123], %or3A_122 masked %eq3A_114 {strides = array<i32>} : memref<4112xi32, #tpu.memory_space<vmem>>, vector<16xi32>, vector<16xi1>
      %all_reduce_population_count3A_125 = tpu.all_reduce %eq3A_114 {dim = 0 : i64, kind = #tpu.reduction_kind<sum>} : vector<16xi1> -> vector<16xi32>
      %reduce_max3A_126 = arith.constant true
      %reduce_max3A_127 = vector.broadcast %reduce_max3A_126 : i1 to vector<16xi1>
      %reduce_max3A_128 = arith.constant -2147483648 : i32
      %reduce_max3A_129 = vector.broadcast %reduce_max3A_128 : i32 to vector<16xi32>
      %reduce_max3A_130 = arith.xori %all_reduce_population_count3A_125, %reduce_max3A_129 : vector<16xi32>
      %reduce_max3A_131 = tpu.scan <max>, %reduce_max3A_130 masked %reduce_max3A_127 : vector<16xi32>, vector<16xi1> -> vector<16xi32>
      %reduce_max3A_132 = arith.xori %reduce_max3A_131, %reduce_max3A_129 : vector<16xi32>
      %reduce_max3A_133 = vector.extract %reduce_max3A_132[15] : i32 from vector<16xi32>
      %add3A_134 = arith.addi %add3A_100, %reduce_max3A_133 : i32
      %scan3A_135 = arith.constant 3 : i32
      %scan3A_136 = arith.addi %scan3A_40, %scan3A_135 : i32
      %mul3A_137 = arith.constant 16 : i32
      %mul3A_138 = arith.muli %scan3A_136, %mul3A_137 : i32
      %get3A_139 = arith.index_cast %mul3A_138 : i32 to index
      %get3A_140 = tpu.vector_load %arg5[%get3A_139] {strides = array<i32>} : memref<4096xi32, #tpu.memory_space<vmem>>, vector<16xi32>,
      %shift_right_arithmetic3A_141 = arith.constant 9 : i32
      %shift_right_arithmetic3A_142 = vector.broadcast %shift_right_arithmetic3A_141 : i32 to vector<16xi32>
      %shift_right_arithmetic3A_143 = arith.shrsi %get3A_140, %shift_right_arithmetic3A_142 : vector<16xi32>
      %and3A_144 = arith.constant 31 : i32
      %and3A_145 = vector.broadcast %and3A_144 : i32 to vector<16xi32>
      %and3A_146 = arith.andi %shift_right_arithmetic3A_143, %and3A_145 : vector<16xi32>
      %eq3A_147 = vector.broadcast %add3A : i32 to vector<16xi32>
      %eq3A_148 = arith.cmpi eq, %and3A_146, %eq3A_147 : vector<16xi32>
      %shift_left3A_149 = arith.constant 13 : i32
      %shift_left3A_150 = vector.broadcast %shift_left3A_149 : i32 to vector<16xi32>
      %shift_left3A_151 = arith.shli %get3A_140, %shift_left3A_150 : vector<16xi32>
      %mul3A_152 = arith.constant 16 : i32
      %mul3A_153 = arith.muli %scan3A_136, %mul3A_152 : i32
      %add3A_154 = vector.broadcast %mul3A_153 : i32 to vector<16xi32>
      %add3A_155 = arith.addi %add3A_154, %iota3A : vector<16xi32>
      %or3A_156 = arith.ori %shift_left3A_151, %add3A_155 : vector<16xi32>
      %swap3A_157 = arith.index_cast %add3A_134 : i32 to index
      %swap3A_158 = tpu.vector_load %arg6[%swap3A_157] masked %eq3A_148 {strides = array<i32>} : memref<4112xi32, #tpu.memory_space<vmem>>, vector<16xi32>, vector<16xi1>
      tpu.vector_store %arg6[%swap3A_157], %or3A_156 masked %eq3A_148 {strides = array<i32>} : memref<4112xi32, #tpu.memory_space<vmem>>, vector<16xi32>, vector<16xi1>
      %all_reduce_population_count3A_159 = tpu.all_reduce %eq3A_148 {dim = 0 : i64, kind = #tpu.reduction_kind<sum>} : vector<16xi1> -> vector<16xi32>
      %reduce_max3A_160 = arith.constant true
      %reduce_max3A_161 = vector.broadcast %reduce_max3A_160 : i1 to vector<16xi1>
      %reduce_max3A_162 = arith.constant -2147483648 : i32
      %reduce_max3A_163 = vector.broadcast %reduce_max3A_162 : i32 to vector<16xi32>
      %reduce_max3A_164 = arith.xori %all_reduce_population_count3A_159, %reduce_max3A_163 : vector<16xi32>
      %reduce_max3A_165 = tpu.scan <max>, %reduce_max3A_164 masked %reduce_max3A_161 : vector<16xi32>, vector<16xi1> -> vector<16xi32>
      %reduce_max3A_166 = arith.xori %reduce_max3A_165, %reduce_max3A_163 : vector<16xi32>
      %reduce_max3A_167 = vector.extract %reduce_max3A_166[15] : i32 from vector<16xi32>
      %add3A_168 = arith.addi %add3A_134, %reduce_max3A_167 : i32
      scf.yield %add3A_168 : i32
    }
    %scan3A_31 = arith.constant 256 : i32
    %broadcast_in_dim3A = arith.constant 822083584 : i32
    %broadcast_in_dim3A_32 = vector.broadcast %broadcast_in_dim3A : i32 to vector<16xi32>
    %swap3A = arith.index_cast %scan3A_30 : i32 to index
    %swap3A_33 = tpu.vector_load %arg6[%swap3A] {strides = array<i32>} : memref<4112xi32, #tpu.memory_space<vmem>>, vector<16xi32>,
    tpu.vector_store %arg6[%swap3A], %broadcast_in_dim3A_32 {strides = array<i32>} : memref<4112xi32, #tpu.memory_space<vmem>>, vector<16xi32>,
    %scan3A_34 = arith.constant 0 : i32
    %scan3A_35 = arith.constant 0 : i32
    %scan3A_36 = arith.constant 4 : i32
    %scan3A_37 = arith.addi %scan3A_35, %scan3A_36 : i32
    %scan3A_38 = arith.constant 1 : i32
    scf.for %scan3A_40 = %scan3A_35 to %scan3A_37 step %scan3A_38  : i32 {
      %mul3A_41 = arith.constant 2 : i32
      %mul3A_42 = arith.muli %scan3A_40, %mul3A_41 : i32
      %mul3A_43 = arith.constant 32 : i32
      %mul3A_44 = arith.muli %mul3A_42, %mul3A_43 : i32
      %add3A_45 = arith.addi %add3A, %mul3A_44 : i32
      %mul3A_46 = arith.constant 32 : i32
      %mul3A_47 = arith.muli %mul3A_42, %mul3A_46 : i32
      %add3A_48 = arith.addi %add3A, %mul3A_47 : i32
      %mul3A_49 = arith.constant 512 : i32
      %mul3A_50 = arith.muli %add3A_48, %mul3A_49 : i32
      %multiple_of3A_51 = tpu.assume_multiple %mul3A_50, 512 : i32
      %lt3A_52 = arith.constant 195 : i32
      %lt3A_53 = arith.cmpi slt, %add3A_48, %lt3A_52 : i32
      %convert_element_type3A_54 = arith.extui %lt3A_53 : i1 to i32
      %cond3A_55 = arith.constant 0 : i32
      %cond3A_56 = arith.cmpi ne, %convert_element_type3A_54, %cond3A_55 : i32
      scf.if %cond3A_56 {
        %dma_wait3A = arith.constant 0 : i32
        %dma_wait3A_129 = tpu.memref_slice %arg2[%dma_wait3A, %multiple_of3A_51] : memref<64x100000xf32, #tpu.memory_space<hbm>> -> memref<64x512xf32, #tpu.memory_space<hbm>>
        %dma_wait3A_130 = arith.constant 0 : i32
        %dma_wait3A_131 = tpu.memref_slice %arg2[%dma_wait3A_130, %multiple_of3A_51] : memref<64x100000xf32, #tpu.memory_space<hbm>> -> memref<64x512xf32, #tpu.memory_space<hbm>>
        tpu.wait_dma2 semaphore(%arg11 : memref<!tpu.dma_semaphore, #tpu.memory_space<semaphore_mem>>) src(%dma_wait3A_131 : memref<64x512xf32, #tpu.memory_space<hbm>>) dst(%arg8 : memref<64x512xf32, #tpu.memory_space<vmem>>)
      } else {
      }
      %eq3A_57 = arith.constant 195 : i32
      %eq3A_58 = arith.cmpi eq, %add3A_48, %eq3A_57 : i32
      %convert_element_type3A_59 = arith.extui %eq3A_58 : i1 to i32
      %cond3A_60 = arith.constant 0 : i32
      %cond3A_61 = arith.cmpi ne, %convert_element_type3A_59, %cond3A_60 : i32
      scf.if %cond3A_61 {
        %dma_wait3A = arith.constant 0 : i32
        %dma_wait3A_129 = arith.constant 0 : i32
        %dma_wait3A_130 = tpu.memref_slice %arg8[%dma_wait3A, %dma_wait3A_129] : memref<64x512xf32, #tpu.memory_space<vmem>> -> memref<64x256xf32, #tpu.memory_space<vmem>>
        %dma_wait3A_131 = arith.constant 0 : i32
        %dma_wait3A_132 = tpu.memref_slice %arg2[%dma_wait3A_131, %multiple_of3A_51] : memref<64x100000xf32, #tpu.memory_space<hbm>> -> memref<64x256xf32, #tpu.memory_space<hbm>>
        %dma_wait3A_133 = arith.constant 0 : i32
        %dma_wait3A_134 = arith.constant 0 : i32
        %dma_wait3A_135 = tpu.memref_slice %arg8[%dma_wait3A_133, %dma_wait3A_134] : memref<64x512xf32, #tpu.memory_space<vmem>> -> memref<64x256xf32, #tpu.memory_space<vmem>>
        %dma_wait3A_136 = arith.constant 0 : i32
        %dma_wait3A_137 = tpu.memref_slice %arg2[%dma_wait3A_136, %multiple_of3A_51] : memref<64x100000xf32, #tpu.memory_space<hbm>> -> memref<64x256xf32, #tpu.memory_space<hbm>>
        tpu.wait_dma2 semaphore(%arg11 : memref<!tpu.dma_semaphore, #tpu.memory_space<semaphore_mem>>) src(%dma_wait3A_137 : memref<64x256xf32, #tpu.memory_space<hbm>>) dst(%dma_wait3A_135 : memref<64x256xf32, #tpu.memory_space<vmem>>)
      } else {
      }
      %lt3A_62 = arith.constant 196 : i32
      %lt3A_63 = arith.cmpi slt, %add3A_45, %lt3A_62 : i32
      %convert_element_type3A_64 = arith.extui %lt3A_63 : i1 to i32
      %cond3A_65 = arith.constant 0 : i32
      %cond3A_66 = arith.cmpi ne, %convert_element_type3A_64, %cond3A_65 : i32
      scf.if %cond3A_66 {
        %add3A_129 = arith.constant 16 : i32
        %add3A_130 = arith.addi %scan3A_30, %add3A_129 : i32
        %sub3A = arith.constant 1 : i32
        %sub3A_131 = arith.subi %add3A_130, %sub3A : i32
        %jit3A = arith.constant 16 : i32
        %div3A = arith.divsi %sub3A_131, %jit3A : i32
        %sign3A = arith.constant 0 : i32
        %sign3A_132 = arith.cmpi sgt, %sub3A_131, %sign3A : i32
        %sign3A_133 = arith.extui %sign3A_132 : i1 to i32
        %sign3A_134 = arith.constant 0 : i32
        %sign3A_135 = arith.cmpi slt, %sub3A_131, %sign3A_134 : i32
        %sign3A_136 = arith.extui %sign3A_135 : i1 to i32
        %sign3A_137 = arith.subi %sign3A_133, %sign3A_136 : i32
        %sign3A_138 = arith.constant 0 : i32
        %sign3A_139 = arith.cmpi sgt, %jit3A, %sign3A_138 : i32
        %sign3A_140 = arith.extui %sign3A_139 : i1 to i32
        %sign3A_141 = arith.constant 0 : i32
        %sign3A_142 = arith.cmpi slt, %jit3A, %sign3A_141 : i32
        %sign3A_143 = arith.extui %sign3A_142 : i1 to i32
        %sign3A_144 = arith.subi %sign3A_140, %sign3A_143 : i32
        %ne3A = arith.cmpi ne, %sign3A_137, %sign3A_144 : i32
        %rem3A = arith.remsi %sub3A_131, %jit3A : i32
        %ne3A_145 = arith.constant 0 : i32
        %ne3A_146 = arith.cmpi ne, %rem3A, %ne3A_145 : i32
        %and3A = arith.andi %ne3A, %ne3A_146 : i1
        %sub3A_147 = arith.constant 1 : i32
        %sub3A_148 = arith.subi %div3A, %sub3A_147 : i32
        %select_n3A = arith.select %and3A, %sub3A_148, %div3A : i32
        %while3A = arith.constant 0 : i32
        %while3A_149 = arith.constant 0 : i32
        %while3A_150 = arith.subi %select_n3A, %while3A : i32
        %while3A_151 = arith.addi %while3A, %while3A_150 : i32
        %while3A_152 = arith.constant 1 : i32
        %while3A_153 = arith.divsi %while3A_150, %while3A_152 : i32
        %while3A_154 = arith.muli %while3A_153, %while3A_152 : i32
        %while3A_155 = arith.addi %while3A, %while3A_154 : i32
        %while3A_156 = arith.constant 1 : i32
        %while3A_157 = scf.for %while3A_205 = %while3A to %while3A_155 step %while3A_156 iter_args(%while3A_206 = %while3A_149) -> (i32)  : i32 {
          %mul3A_207 = arith.constant 16 : i32
          %mul3A_208 = arith.muli %while3A_205, %mul3A_207 : i32
          %get3A = arith.index_cast %mul3A_208 : i32 to index
          %get3A_209 = tpu.vector_load %arg6[%get3A] {strides = array<i32>} : memref<4112xi32, #tpu.memory_space<vmem>>, vector<16xi32>,
          %shift_right_arithmetic3A = arith.constant 22 : i32
          %shift_right_arithmetic3A_210 = vector.broadcast %shift_right_arithmetic3A : i32 to vector<16xi32>
          %shift_right_arithmetic3A_211 = arith.shrsi %get3A_209, %shift_right_arithmetic3A_210 : vector<16xi32>
          %eq3A_212 = vector.broadcast %add3A_45 : i32 to vector<16xi32>
          %eq3A_213 = arith.cmpi eq, %shift_right_arithmetic3A_211, %eq3A_212 : vector<16xi32>
          %swap3A_214 = arith.index_cast %while3A_206 : i32 to index
          %swap3A_215 = tpu.vector_load %arg7[%swap3A_214] masked %eq3A_213 {strides = array<i32>} : memref<4112xi32, #tpu.memory_space<vmem>>, vector<16xi32>, vector<16xi1>
          tpu.vector_store %arg7[%swap3A_214], %get3A_209 masked %eq3A_213 {strides = array<i32>} : memref<4112xi32, #tpu.memory_space<vmem>>, vector<16xi32>, vector<16xi1>
          %all_reduce_population_count3A = tpu.all_reduce %eq3A_213 {dim = 0 : i64, kind = #tpu.reduction_kind<sum>} : vector<16xi1> -> vector<16xi32>
          %reduce_max3A = arith.constant true
          %reduce_max3A_216 = vector.broadcast %reduce_max3A : i1 to vector<16xi1>
          %reduce_max3A_217 = arith.constant -2147483648 : i32
          %reduce_max3A_218 = vector.broadcast %reduce_max3A_217 : i32 to vector<16xi32>
          %reduce_max3A_219 = arith.xori %all_reduce_population_count3A, %reduce_max3A_218 : vector<16xi32>
          %reduce_max3A_220 = tpu.scan <max>, %reduce_max3A_219 masked %reduce_max3A_216 : vector<16xi32>, vector<16xi1> -> vector<16xi32>
          %reduce_max3A_221 = arith.xori %reduce_max3A_220, %reduce_max3A_218 : vector<16xi32>
          %reduce_max3A_222 = vector.extract %reduce_max3A_221[15] : i32 from vector<16xi32>
          %add3A_223 = arith.addi %while3A_206, %reduce_max3A_222 : i32
          scf.yield %add3A_223 : i32
        }
        %while3A_158 = arith.constant 1 : i32
        %while3A_159 = scf.for %while3A_205 = %while3A_155 to %while3A_151 step %while3A_158 iter_args(%while3A_206 = %while3A_157) -> (i32)  : i32 {
          %mul3A_207 = arith.constant 16 : i32
          %mul3A_208 = arith.muli %while3A_205, %mul3A_207 : i32
          %get3A = arith.index_cast %mul3A_208 : i32 to index
          %get3A_209 = tpu.vector_load %arg6[%get3A] {strides = array<i32>} : memref<4112xi32, #tpu.memory_space<vmem>>, vector<16xi32>,
          %shift_right_arithmetic3A = arith.constant 22 : i32
          %shift_right_arithmetic3A_210 = vector.broadcast %shift_right_arithmetic3A : i32 to vector<16xi32>
          %shift_right_arithmetic3A_211 = arith.shrsi %get3A_209, %shift_right_arithmetic3A_210 : vector<16xi32>
          %eq3A_212 = vector.broadcast %add3A_45 : i32 to vector<16xi32>
          %eq3A_213 = arith.cmpi eq, %shift_right_arithmetic3A_211, %eq3A_212 : vector<16xi32>
          %swap3A_214 = arith.index_cast %while3A_206 : i32 to index
          %swap3A_215 = tpu.vector_load %arg7[%swap3A_214] masked %eq3A_213 {strides = array<i32>} : memref<4112xi32, #tpu.memory_space<vmem>>, vector<16xi32>, vector<16xi1>
          tpu.vector_store %arg7[%swap3A_214], %get3A_209 masked %eq3A_213 {strides = array<i32>} : memref<4112xi32, #tpu.memory_space<vmem>>, vector<16xi32>, vector<16xi1>
          %all_reduce_population_count3A = tpu.all_reduce %eq3A_213 {dim = 0 : i64, kind = #tpu.reduction_kind<sum>} : vector<16xi1> -> vector<16xi32>
          %reduce_max3A = arith.constant true
          %reduce_max3A_216 = vector.broadcast %reduce_max3A : i1 to vector<16xi1>
          %reduce_max3A_217 = arith.constant -2147483648 : i32
          %reduce_max3A_218 = vector.broadcast %reduce_max3A_217 : i32 to vector<16xi32>
          %reduce_max3A_219 = arith.xori %all_reduce_population_count3A, %reduce_max3A_218 : vector<16xi32>
          %reduce_max3A_220 = tpu.scan <max>, %reduce_max3A_219 masked %reduce_max3A_216 : vector<16xi32>, vector<16xi1> -> vector<16xi32>
          %reduce_max3A_221 = arith.xori %reduce_max3A_220, %reduce_max3A_218 : vector<16xi32>
          %reduce_max3A_222 = vector.extract %reduce_max3A_221[15] : i32 from vector<16xi32>
          %add3A_223 = arith.addi %while3A_206, %reduce_max3A_222 : i32
          scf.yield %add3A_223 : i32
        }
        %add3A_160 = arith.constant 4096 : i32
        %add3A_161 = vector.broadcast %add3A_160 : i32 to vector<16xi32>
        %add3A_162 = arith.addi %add3A_161, %iota3A : vector<16xi32>
        %or3A = arith.constant 2088960 : i32
        %or3A_163 = vector.broadcast %or3A : i32 to vector<16xi32>
        %or3A_164 = arith.ori %add3A_162, %or3A_163 : vector<16xi32>
        %swap3A_165 = arith.index_cast %while3A_159 : i32 to index
        %swap3A_166 = tpu.vector_load %arg7[%swap3A_165] {strides = array<i32>} : memref<4112xi32, #tpu.memory_space<vmem>>, vector<16xi32>,
        tpu.vector_store %arg7[%swap3A_165], %or3A_164 {strides = array<i32>} : memref<4112xi32, #tpu.memory_space<vmem>>, vector<16xi32>,
        %add3A_167 = arith.constant 16 : i32
        %add3A_168 = arith.addi %while3A_159, %add3A_167 : i32
        %sub3A_169 = arith.constant 1 : i32
        %sub3A_170 = arith.subi %add3A_168, %sub3A_169 : i32
        %jit3A_171 = arith.constant 16 : i32
        %div3A_172 = arith.divsi %sub3A_170, %jit3A_171 : i32
        %sign3A_173 = arith.constant 0 : i32
        %sign3A_174 = arith.cmpi sgt, %sub3A_170, %sign3A_173 : i32
        %sign3A_175 = arith.extui %sign3A_174 : i1 to i32
        %sign3A_176 = arith.constant 0 : i32
        %sign3A_177 = arith.cmpi slt, %sub3A_170, %sign3A_176 : i32
        %sign3A_178 = arith.extui %sign3A_177 : i1 to i32
        %sign3A_179 = arith.subi %sign3A_175, %sign3A_178 : i32
        %sign3A_180 = arith.constant 0 : i32
        %sign3A_181 = arith.cmpi sgt, %jit3A_171, %sign3A_180 : i32
        %sign3A_182 = arith.extui %sign3A_181 : i1 to i32
        %sign3A_183 = arith.constant 0 : i32
        %sign3A_184 = arith.cmpi slt, %jit3A_171, %sign3A_183 : i32
        %sign3A_185 = arith.extui %sign3A_184 : i1 to i32
        %sign3A_186 = arith.subi %sign3A_182, %sign3A_185 : i32
        %ne3A_187 = arith.cmpi ne, %sign3A_179, %sign3A_186 : i32
        %rem3A_188 = arith.remsi %sub3A_170, %jit3A_171 : i32
        %ne3A_189 = arith.constant 0 : i32
        %ne3A_190 = arith.cmpi ne, %rem3A_188, %ne3A_189 : i32
        %and3A_191 = arith.andi %ne3A_187, %ne3A_190 : i1
        %sub3A_192 = arith.constant 1 : i32
        %sub3A_193 = arith.subi %div3A_172, %sub3A_192 : i32
        %select_n3A_194 = arith.select %and3A_191, %sub3A_193, %div3A_172 : i32
        %while3A_195 = arith.constant 0 : i32
        %while3A_196 = arith.constant 0 : i32
        %while3A_197 = arith.subi %select_n3A_194, %while3A_196 : i32
        %while3A_198 = arith.addi %while3A_196, %while3A_197 : i32
        %while3A_199 = arith.constant 1 : i32
        %while3A_200 = arith.divsi %while3A_197, %while3A_199 : i32
        %while3A_201 = arith.muli %while3A_200, %while3A_199 : i32
        %while3A_202 = arith.addi %while3A_196, %while3A_201 : i32
        %while3A_203 = arith.constant 1 : i32
        scf.for %while3A_205 = %while3A_196 to %while3A_202 step %while3A_203  : i32 {
          %mul3A_206 = arith.constant 16 : i32
          %mul3A_207 = arith.muli %while3A_205, %mul3A_206 : i32
          %get3A = arith.index_cast %mul3A_207 : i32 to index
          %get3A_208 = tpu.vector_load %arg7[%get3A] {strides = array<i32>} : memref<4112xi32, #tpu.memory_space<vmem>>, vector<16xi32>,
          %shift_right_arithmetic3A = arith.constant 13 : i32
          %shift_right_arithmetic3A_209 = vector.broadcast %shift_right_arithmetic3A : i32 to vector<16xi32>
          %shift_right_arithmetic3A_210 = arith.shrsi %get3A_208, %shift_right_arithmetic3A_209 : vector<16xi32>
          %and3A_211 = arith.constant 511 : i32
          %and3A_212 = vector.broadcast %and3A_211 : i32 to vector<16xi32>
          %and3A_213 = arith.andi %shift_right_arithmetic3A_210, %and3A_212 : vector<16xi32>
          %and3A_214 = arith.constant 8191 : i32
          %and3A_215 = vector.broadcast %and3A_214 : i32 to vector<16xi32>
          %and3A_216 = arith.andi %get3A_208, %and3A_215 : vector<16xi32>
          %scan3A_217 = arith.constant 0 : i32
          %scan3A_218 = arith.constant 0 : i32
          %scan3A_219 = arith.constant 4 : i32
          %scan3A_220 = arith.addi %scan3A_218, %scan3A_219 : i32
          %scan3A_221 = arith.constant 1 : i32
          scf.for %scan3A_223 = %scan3A_218 to %scan3A_220 step %scan3A_221  : i32 {
            %broadcast_in_dim3A_224 = arith.constant 1 : i32
            %broadcast_in_dim3A_225 = vector.broadcast %broadcast_in_dim3A_224 : i32 to vector<16xi32>
            %mul3A_226 = arith.constant 16 : i32
            %mul3A_227 = arith.muli %scan3A_223, %mul3A_226 : i32
            %add3A_228 = arith.constant 0 : i32
            %add3A_229 = arith.addi %mul3A_227, %add3A_228 : i32
            %mul3A_230 = vector.broadcast %add3A_229 : i32 to vector<16xi32>
            %mul3A_231 = arith.muli %broadcast_in_dim3A_225, %mul3A_230 : vector<16xi32>
            %gather3A = tpu.vector_load_idx %arg8[%mul3A_231, %and3A_213] : memref<64x512xf32, #tpu.memory_space<vmem>>[vector<16xi32>, vector<16xi32>], vector<16xf32>,
            tpu.vector_store_idx %arg10[%iota3A, %mul3A_231], %gather3A : memref<16x128xf32, #tpu.memory_space<vmem>>[vector<16xi32>, vector<16xi32>], vector<16xf32>,
            %broadcast_in_dim3A_232 = arith.constant 1 : i32
            %broadcast_in_dim3A_233 = vector.broadcast %broadcast_in_dim3A_232 : i32 to vector<16xi32>
            %mul3A_234 = arith.constant 16 : i32
            %mul3A_235 = arith.muli %scan3A_223, %mul3A_234 : i32
            %add3A_236 = arith.constant 1 : i32
            %add3A_237 = arith.addi %mul3A_235, %add3A_236 : i32
            %mul3A_238 = vector.broadcast %add3A_237 : i32 to vector<16xi32>
            %mul3A_239 = arith.muli %broadcast_in_dim3A_233, %mul3A_238 : vector<16xi32>
            %gather3A_240 = tpu.vector_load_idx %arg8[%mul3A_239, %and3A_213] : memref<64x512xf32, #tpu.memory_space<vmem>>[vector<16xi32>, vector<16xi32>], vector<16xf32>,
            tpu.vector_store_idx %arg10[%iota3A, %mul3A_239], %gather3A_240 : memref<16x128xf32, #tpu.memory_space<vmem>>[vector<16xi32>, vector<16xi32>], vector<16xf32>,
            %broadcast_in_dim3A_241 = arith.constant 1 : i32
            %broadcast_in_dim3A_242 = vector.broadcast %broadcast_in_dim3A_241 : i32 to vector<16xi32>
            %mul3A_243 = arith.constant 16 : i32
            %mul3A_244 = arith.muli %scan3A_223, %mul3A_243 : i32
            %add3A_245 = arith.constant 2 : i32
            %add3A_246 = arith.addi %mul3A_244, %add3A_245 : i32
            %mul3A_247 = vector.broadcast %add3A_246 : i32 to vector<16xi32>
            %mul3A_248 = arith.muli %broadcast_in_dim3A_242, %mul3A_247 : vector<16xi32>
            %gather3A_249 = tpu.vector_load_idx %arg8[%mul3A_248, %and3A_213] : memref<64x512xf32, #tpu.memory_space<vmem>>[vector<16xi32>, vector<16xi32>], vector<16xf32>,
            tpu.vector_store_idx %arg10[%iota3A, %mul3A_248], %gather3A_249 : memref<16x128xf32, #tpu.memory_space<vmem>>[vector<16xi32>, vector<16xi32>], vector<16xf32>,
            %broadcast_in_dim3A_250 = arith.constant 1 : i32
            %broadcast_in_dim3A_251 = vector.broadcast %broadcast_in_dim3A_250 : i32 to vector<16xi32>
            %mul3A_252 = arith.constant 16 : i32
            %mul3A_253 = arith.muli %scan3A_223, %mul3A_252 : i32
            %add3A_254 = arith.constant 3 : i32
            %add3A_255 = arith.addi %mul3A_253, %add3A_254 : i32
            %mul3A_256 = vector.broadcast %add3A_255 : i32 to vector<16xi32>
            %mul3A_257 = arith.muli %broadcast_in_dim3A_251, %mul3A_256 : vector<16xi32>
            %gather3A_258 = tpu.vector_load_idx %arg8[%mul3A_257, %and3A_213] : memref<64x512xf32, #tpu.memory_space<vmem>>[vector<16xi32>, vector<16xi32>], vector<16xf32>,
            tpu.vector_store_idx %arg10[%iota3A, %mul3A_257], %gather3A_258 : memref<16x128xf32, #tpu.memory_space<vmem>>[vector<16xi32>, vector<16xi32>], vector<16xf32>,
            %broadcast_in_dim3A_259 = arith.constant 1 : i32
            %broadcast_in_dim3A_260 = vector.broadcast %broadcast_in_dim3A_259 : i32 to vector<16xi32>
            %mul3A_261 = arith.constant 16 : i32
            %mul3A_262 = arith.muli %scan3A_223, %mul3A_261 : i32
            %add3A_263 = arith.constant 4 : i32
            %add3A_264 = arith.addi %mul3A_262, %add3A_263 : i32
            %mul3A_265 = vector.broadcast %add3A_264 : i32 to vector<16xi32>
            %mul3A_266 = arith.muli %broadcast_in_dim3A_260, %mul3A_265 : vector<16xi32>
            %gather3A_267 = tpu.vector_load_idx %arg8[%mul3A_266, %and3A_213] : memref<64x512xf32, #tpu.memory_space<vmem>>[vector<16xi32>, vector<16xi32>], vector<16xf32>,
            tpu.vector_store_idx %arg10[%iota3A, %mul3A_266], %gather3A_267 : memref<16x128xf32, #tpu.memory_space<vmem>>[vector<16xi32>, vector<16xi32>], vector<16xf32>,
            %broadcast_in_dim3A_268 = arith.constant 1 : i32
            %broadcast_in_dim3A_269 = vector.broadcast %broadcast_in_dim3A_268 : i32 to vector<16xi32>
            %mul3A_270 = arith.constant 16 : i32
            %mul3A_271 = arith.muli %scan3A_223, %mul3A_270 : i32
            %add3A_272 = arith.constant 5 : i32
            %add3A_273 = arith.addi %mul3A_271, %add3A_272 : i32
            %mul3A_274 = vector.broadcast %add3A_273 : i32 to vector<16xi32>
            %mul3A_275 = arith.muli %broadcast_in_dim3A_269, %mul3A_274 : vector<16xi32>
            %gather3A_276 = tpu.vector_load_idx %arg8[%mul3A_275, %and3A_213] : memref<64x512xf32, #tpu.memory_space<vmem>>[vector<16xi32>, vector<16xi32>], vector<16xf32>,
            tpu.vector_store_idx %arg10[%iota3A, %mul3A_275], %gather3A_276 : memref<16x128xf32, #tpu.memory_space<vmem>>[vector<16xi32>, vector<16xi32>], vector<16xf32>,
            %broadcast_in_dim3A_277 = arith.constant 1 : i32
            %broadcast_in_dim3A_278 = vector.broadcast %broadcast_in_dim3A_277 : i32 to vector<16xi32>
            %mul3A_279 = arith.constant 16 : i32
            %mul3A_280 = arith.muli %scan3A_223, %mul3A_279 : i32
            %add3A_281 = arith.constant 6 : i32
            %add3A_282 = arith.addi %mul3A_280, %add3A_281 : i32
            %mul3A_283 = vector.broadcast %add3A_282 : i32 to vector<16xi32>
            %mul3A_284 = arith.muli %broadcast_in_dim3A_278, %mul3A_283 : vector<16xi32>
            %gather3A_285 = tpu.vector_load_idx %arg8[%mul3A_284, %and3A_213] : memref<64x512xf32, #tpu.memory_space<vmem>>[vector<16xi32>, vector<16xi32>], vector<16xf32>,
            tpu.vector_store_idx %arg10[%iota3A, %mul3A_284], %gather3A_285 : memref<16x128xf32, #tpu.memory_space<vmem>>[vector<16xi32>, vector<16xi32>], vector<16xf32>,
            %broadcast_in_dim3A_286 = arith.constant 1 : i32
            %broadcast_in_dim3A_287 = vector.broadcast %broadcast_in_dim3A_286 : i32 to vector<16xi32>
            %mul3A_288 = arith.constant 16 : i32
            %mul3A_289 = arith.muli %scan3A_223, %mul3A_288 : i32
            %add3A_290 = arith.constant 7 : i32
            %add3A_291 = arith.addi %mul3A_289, %add3A_290 : i32
            %mul3A_292 = vector.broadcast %add3A_291 : i32 to vector<16xi32>
            %mul3A_293 = arith.muli %broadcast_in_dim3A_287, %mul3A_292 : vector<16xi32>
            %gather3A_294 = tpu.vector_load_idx %arg8[%mul3A_293, %and3A_213] : memref<64x512xf32, #tpu.memory_space<vmem>>[vector<16xi32>, vector<16xi32>], vector<16xf32>,
            tpu.vector_store_idx %arg10[%iota3A, %mul3A_293], %gather3A_294 : memref<16x128xf32, #tpu.memory_space<vmem>>[vector<16xi32>, vector<16xi32>], vector<16xf32>,
            %broadcast_in_dim3A_295 = arith.constant 1 : i32
            %broadcast_in_dim3A_296 = vector.broadcast %broadcast_in_dim3A_295 : i32 to vector<16xi32>
            %mul3A_297 = arith.constant 16 : i32
            %mul3A_298 = arith.muli %scan3A_223, %mul3A_297 : i32
            %add3A_299 = arith.constant 8 : i32
            %add3A_300 = arith.addi %mul3A_298, %add3A_299 : i32
            %mul3A_301 = vector.broadcast %add3A_300 : i32 to vector<16xi32>
            %mul3A_302 = arith.muli %broadcast_in_dim3A_296, %mul3A_301 : vector<16xi32>
            %gather3A_303 = tpu.vector_load_idx %arg8[%mul3A_302, %and3A_213] : memref<64x512xf32, #tpu.memory_space<vmem>>[vector<16xi32>, vector<16xi32>], vector<16xf32>,
            tpu.vector_store_idx %arg10[%iota3A, %mul3A_302], %gather3A_303 : memref<16x128xf32, #tpu.memory_space<vmem>>[vector<16xi32>, vector<16xi32>], vector<16xf32>,
            %broadcast_in_dim3A_304 = arith.constant 1 : i32
            %broadcast_in_dim3A_305 = vector.broadcast %broadcast_in_dim3A_304 : i32 to vector<16xi32>
            %mul3A_306 = arith.constant 16 : i32
            %mul3A_307 = arith.muli %scan3A_223, %mul3A_306 : i32
            %add3A_308 = arith.constant 9 : i32
            %add3A_309 = arith.addi %mul3A_307, %add3A_308 : i32
            %mul3A_310 = vector.broadcast %add3A_309 : i32 to vector<16xi32>
            %mul3A_311 = arith.muli %broadcast_in_dim3A_305, %mul3A_310 : vector<16xi32>
            %gather3A_312 = tpu.vector_load_idx %arg8[%mul3A_311, %and3A_213] : memref<64x512xf32, #tpu.memory_space<vmem>>[vector<16xi32>, vector<16xi32>], vector<16xf32>,
            tpu.vector_store_idx %arg10[%iota3A, %mul3A_311], %gather3A_312 : memref<16x128xf32, #tpu.memory_space<vmem>>[vector<16xi32>, vector<16xi32>], vector<16xf32>,
            %broadcast_in_dim3A_313 = arith.constant 1 : i32
            %broadcast_in_dim3A_314 = vector.broadcast %broadcast_in_dim3A_313 : i32 to vector<16xi32>
            %mul3A_315 = arith.constant 16 : i32
            %mul3A_316 = arith.muli %scan3A_223, %mul3A_315 : i32
            %add3A_317 = arith.constant 10 : i32
            %add3A_318 = arith.addi %mul3A_316, %add3A_317 : i32
            %mul3A_319 = vector.broadcast %add3A_318 : i32 to vector<16xi32>
            %mul3A_320 = arith.muli %broadcast_in_dim3A_314, %mul3A_319 : vector<16xi32>
            %gather3A_321 = tpu.vector_load_idx %arg8[%mul3A_320, %and3A_213] : memref<64x512xf32, #tpu.memory_space<vmem>>[vector<16xi32>, vector<16xi32>], vector<16xf32>,
            tpu.vector_store_idx %arg10[%iota3A, %mul3A_320], %gather3A_321 : memref<16x128xf32, #tpu.memory_space<vmem>>[vector<16xi32>, vector<16xi32>], vector<16xf32>,
            %broadcast_in_dim3A_322 = arith.constant 1 : i32
            %broadcast_in_dim3A_323 = vector.broadcast %broadcast_in_dim3A_322 : i32 to vector<16xi32>
            %mul3A_324 = arith.constant 16 : i32
            %mul3A_325 = arith.muli %scan3A_223, %mul3A_324 : i32
            %add3A_326 = arith.constant 11 : i32
            %add3A_327 = arith.addi %mul3A_325, %add3A_326 : i32
            %mul3A_328 = vector.broadcast %add3A_327 : i32 to vector<16xi32>
            %mul3A_329 = arith.muli %broadcast_in_dim3A_323, %mul3A_328 : vector<16xi32>
            %gather3A_330 = tpu.vector_load_idx %arg8[%mul3A_329, %and3A_213] : memref<64x512xf32, #tpu.memory_space<vmem>>[vector<16xi32>, vector<16xi32>], vector<16xf32>,
            tpu.vector_store_idx %arg10[%iota3A, %mul3A_329], %gather3A_330 : memref<16x128xf32, #tpu.memory_space<vmem>>[vector<16xi32>, vector<16xi32>], vector<16xf32>,
            %broadcast_in_dim3A_331 = arith.constant 1 : i32
            %broadcast_in_dim3A_332 = vector.broadcast %broadcast_in_dim3A_331 : i32 to vector<16xi32>
            %mul3A_333 = arith.constant 16 : i32
            %mul3A_334 = arith.muli %scan3A_223, %mul3A_333 : i32
            %add3A_335 = arith.constant 12 : i32
            %add3A_336 = arith.addi %mul3A_334, %add3A_335 : i32
            %mul3A_337 = vector.broadcast %add3A_336 : i32 to vector<16xi32>
            %mul3A_338 = arith.muli %broadcast_in_dim3A_332, %mul3A_337 : vector<16xi32>
            %gather3A_339 = tpu.vector_load_idx %arg8[%mul3A_338, %and3A_213] : memref<64x512xf32, #tpu.memory_space<vmem>>[vector<16xi32>, vector<16xi32>], vector<16xf32>,
            tpu.vector_store_idx %arg10[%iota3A, %mul3A_338], %gather3A_339 : memref<16x128xf32, #tpu.memory_space<vmem>>[vector<16xi32>, vector<16xi32>], vector<16xf32>,
            %broadcast_in_dim3A_340 = arith.constant 1 : i32
            %broadcast_in_dim3A_341 = vector.broadcast %broadcast_in_dim3A_340 : i32 to vector<16xi32>
            %mul3A_342 = arith.constant 16 : i32
            %mul3A_343 = arith.muli %scan3A_223, %mul3A_342 : i32
            %add3A_344 = arith.constant 13 : i32
            %add3A_345 = arith.addi %mul3A_343, %add3A_344 : i32
            %mul3A_346 = vector.broadcast %add3A_345 : i32 to vector<16xi32>
            %mul3A_347 = arith.muli %broadcast_in_dim3A_341, %mul3A_346 : vector<16xi32>
            %gather3A_348 = tpu.vector_load_idx %arg8[%mul3A_347, %and3A_213] : memref<64x512xf32, #tpu.memory_space<vmem>>[vector<16xi32>, vector<16xi32>], vector<16xf32>,
            tpu.vector_store_idx %arg10[%iota3A, %mul3A_347], %gather3A_348 : memref<16x128xf32, #tpu.memory_space<vmem>>[vector<16xi32>, vector<16xi32>], vector<16xf32>,
            %broadcast_in_dim3A_349 = arith.constant 1 : i32
            %broadcast_in_dim3A_350 = vector.broadcast %broadcast_in_dim3A_349 : i32 to vector<16xi32>
            %mul3A_351 = arith.constant 16 : i32
            %mul3A_352 = arith.muli %scan3A_223, %mul3A_351 : i32
            %add3A_353 = arith.constant 14 : i32
            %add3A_354 = arith.addi %mul3A_352, %add3A_353 : i32
            %mul3A_355 = vector.broadcast %add3A_354 : i32 to vector<16xi32>
            %mul3A_356 = arith.muli %broadcast_in_dim3A_350, %mul3A_355 : vector<16xi32>
            %gather3A_357 = tpu.vector_load_idx %arg8[%mul3A_356, %and3A_213] : memref<64x512xf32, #tpu.memory_space<vmem>>[vector<16xi32>, vector<16xi32>], vector<16xf32>,
            tpu.vector_store_idx %arg10[%iota3A, %mul3A_356], %gather3A_357 : memref<16x128xf32, #tpu.memory_space<vmem>>[vector<16xi32>, vector<16xi32>], vector<16xf32>,
            %broadcast_in_dim3A_358 = arith.constant 1 : i32
            %broadcast_in_dim3A_359 = vector.broadcast %broadcast_in_dim3A_358 : i32 to vector<16xi32>
            %mul3A_360 = arith.constant 16 : i32
            %mul3A_361 = arith.muli %scan3A_223, %mul3A_360 : i32
            %add3A_362 = arith.constant 15 : i32
            %add3A_363 = arith.addi %mul3A_361, %add3A_362 : i32
            %mul3A_364 = vector.broadcast %add3A_363 : i32 to vector<16xi32>
            %mul3A_365 = arith.muli %broadcast_in_dim3A_359, %mul3A_364 : vector<16xi32>
            %gather3A_366 = tpu.vector_load_idx %arg8[%mul3A_365, %and3A_213] : memref<64x512xf32, #tpu.memory_space<vmem>>[vector<16xi32>, vector<16xi32>], vector<16xf32>,
            tpu.vector_store_idx %arg10[%iota3A, %mul3A_365], %gather3A_366 : memref<16x128xf32, #tpu.memory_space<vmem>>[vector<16xi32>, vector<16xi32>], vector<16xf32>,
          }
          %scan3A_222 = arith.constant 4 : i32
          "tpu.region"() ({
            %run_scoped3A = tpu.sem_alloc : memref<!tpu.dma_semaphore, #tpu.memory_space<semaphore_mem>>
            %dma_start3A = arith.constant 0 : i32
            %dma_start3A_223 = arith.constant 0 : i32
            %dma_start3A_224 = tpu.memref_slice %arg4[%dma_start3A, %dma_start3A_223] : memref<4112x128xf32, #tpu.memory_space<hbm>> -> memref<4112x128xf32, #tpu.memory_space<hbm>>
            tpu.enqueue_indirect_dma source(%arg10 : memref<16x128xf32, #tpu.memory_space<vmem>>) target(%dma_start3A_224 : memref<4112x128xf32, #tpu.memory_space<hbm>>) offsets(%and3A_216 : vector<16xi32>) semaphore(%run_scoped3A : memref<!tpu.dma_semaphore, #tpu.memory_space<semaphore_mem>>)
            %dma_wait3A = arith.constant 0 : i32
            %dma_wait3A_225 = arith.constant 0 : i32
            %dma_wait3A_226 = tpu.memref_slice %arg4[%dma_wait3A, %dma_wait3A_225] : memref<4112x128xf32, #tpu.memory_space<hbm>> -> memref<4112x128xf32, #tpu.memory_space<hbm>>
            tpu.wait_indirect_dma semaphore(%run_scoped3A : memref<!tpu.dma_semaphore, #tpu.memory_space<semaphore_mem>>) src(%arg10 : memref<16x128xf32, #tpu.memory_space<vmem>>) dst(%dma_wait3A_226 : memref<4112x128xf32, #tpu.memory_space<hbm>>)
            tpu.yield
          }) : () -> ()
        }
        %while3A_204 = arith.constant 1 : i32
        scf.for %while3A_205 = %while3A_202 to %while3A_198 step %while3A_204  : i32 {
          %mul3A_206 = arith.constant 16 : i32
          %mul3A_207 = arith.muli %while3A_205, %mul3A_206 : i32
          %get3A = arith.index_cast %mul3A_207 : i32 to index
          %get3A_208 = tpu.vector_load %arg7[%get3A] {strides = array<i32>} : memref<4112xi32, #tpu.memory_space<vmem>>, vector<16xi32>,
          %shift_right_arithmetic3A = arith.constant 13 : i32
          %shift_right_arithmetic3A_209 = vector.broadcast %shift_right_arithmetic3A : i32 to vector<16xi32>
          %shift_right_arithmetic3A_210 = arith.shrsi %get3A_208, %shift_right_arithmetic3A_209 : vector<16xi32>
          %and3A_211 = arith.constant 511 : i32
          %and3A_212 = vector.broadcast %and3A_211 : i32 to vector<16xi32>
          %and3A_213 = arith.andi %shift_right_arithmetic3A_210, %and3A_212 : vector<16xi32>
          %and3A_214 = arith.constant 8191 : i32
          %and3A_215 = vector.broadcast %and3A_214 : i32 to vector<16xi32>
          %and3A_216 = arith.andi %get3A_208, %and3A_215 : vector<16xi32>
          %scan3A_217 = arith.constant 0 : i32
          %scan3A_218 = arith.constant 0 : i32
          %scan3A_219 = arith.constant 4 : i32
          %scan3A_220 = arith.addi %scan3A_218, %scan3A_219 : i32
          %scan3A_221 = arith.constant 1 : i32
          scf.for %scan3A_223 = %scan3A_218 to %scan3A_220 step %scan3A_221  : i32 {
            %broadcast_in_dim3A_224 = arith.constant 1 : i32
            %broadcast_in_dim3A_225 = vector.broadcast %broadcast_in_dim3A_224 : i32 to vector<16xi32>
            %mul3A_226 = arith.constant 16 : i32
            %mul3A_227 = arith.muli %scan3A_223, %mul3A_226 : i32
            %add3A_228 = arith.constant 0 : i32
            %add3A_229 = arith.addi %mul3A_227, %add3A_228 : i32
            %mul3A_230 = vector.broadcast %add3A_229 : i32 to vector<16xi32>
            %mul3A_231 = arith.muli %broadcast_in_dim3A_225, %mul3A_230 : vector<16xi32>
            %gather3A = tpu.vector_load_idx %arg8[%mul3A_231, %and3A_213] : memref<64x512xf32, #tpu.memory_space<vmem>>[vector<16xi32>, vector<16xi32>], vector<16xf32>,
            tpu.vector_store_idx %arg10[%iota3A, %mul3A_231], %gather3A : memref<16x128xf32, #tpu.memory_space<vmem>>[vector<16xi32>, vector<16xi32>], vector<16xf32>,
            %broadcast_in_dim3A_232 = arith.constant 1 : i32
            %broadcast_in_dim3A_233 = vector.broadcast %broadcast_in_dim3A_232 : i32 to vector<16xi32>
            %mul3A_234 = arith.constant 16 : i32
            %mul3A_235 = arith.muli %scan3A_223, %mul3A_234 : i32
            %add3A_236 = arith.constant 1 : i32
            %add3A_237 = arith.addi %mul3A_235, %add3A_236 : i32
            %mul3A_238 = vector.broadcast %add3A_237 : i32 to vector<16xi32>
            %mul3A_239 = arith.muli %broadcast_in_dim3A_233, %mul3A_238 : vector<16xi32>
            %gather3A_240 = tpu.vector_load_idx %arg8[%mul3A_239, %and3A_213] : memref<64x512xf32, #tpu.memory_space<vmem>>[vector<16xi32>, vector<16xi32>], vector<16xf32>,
            tpu.vector_store_idx %arg10[%iota3A, %mul3A_239], %gather3A_240 : memref<16x128xf32, #tpu.memory_space<vmem>>[vector<16xi32>, vector<16xi32>], vector<16xf32>,
            %broadcast_in_dim3A_241 = arith.constant 1 : i32
            %broadcast_in_dim3A_242 = vector.broadcast %broadcast_in_dim3A_241 : i32 to vector<16xi32>
            %mul3A_243 = arith.constant 16 : i32
            %mul3A_244 = arith.muli %scan3A_223, %mul3A_243 : i32
            %add3A_245 = arith.constant 2 : i32
            %add3A_246 = arith.addi %mul3A_244, %add3A_245 : i32
            %mul3A_247 = vector.broadcast %add3A_246 : i32 to vector<16xi32>
            %mul3A_248 = arith.muli %broadcast_in_dim3A_242, %mul3A_247 : vector<16xi32>
            %gather3A_249 = tpu.vector_load_idx %arg8[%mul3A_248, %and3A_213] : memref<64x512xf32, #tpu.memory_space<vmem>>[vector<16xi32>, vector<16xi32>], vector<16xf32>,
            tpu.vector_store_idx %arg10[%iota3A, %mul3A_248], %gather3A_249 : memref<16x128xf32, #tpu.memory_space<vmem>>[vector<16xi32>, vector<16xi32>], vector<16xf32>,
            %broadcast_in_dim3A_250 = arith.constant 1 : i32
            %broadcast_in_dim3A_251 = vector.broadcast %broadcast_in_dim3A_250 : i32 to vector<16xi32>
            %mul3A_252 = arith.constant 16 : i32
            %mul3A_253 = arith.muli %scan3A_223, %mul3A_252 : i32
            %add3A_254 = arith.constant 3 : i32
            %add3A_255 = arith.addi %mul3A_253, %add3A_254 : i32
            %mul3A_256 = vector.broadcast %add3A_255 : i32 to vector<16xi32>
            %mul3A_257 = arith.muli %broadcast_in_dim3A_251, %mul3A_256 : vector<16xi32>
            %gather3A_258 = tpu.vector_load_idx %arg8[%mul3A_257, %and3A_213] : memref<64x512xf32, #tpu.memory_space<vmem>>[vector<16xi32>, vector<16xi32>], vector<16xf32>,
            tpu.vector_store_idx %arg10[%iota3A, %mul3A_257], %gather3A_258 : memref<16x128xf32, #tpu.memory_space<vmem>>[vector<16xi32>, vector<16xi32>], vector<16xf32>,
            %broadcast_in_dim3A_259 = arith.constant 1 : i32
            %broadcast_in_dim3A_260 = vector.broadcast %broadcast_in_dim3A_259 : i32 to vector<16xi32>
            %mul3A_261 = arith.constant 16 : i32
            %mul3A_262 = arith.muli %scan3A_223, %mul3A_261 : i32
            %add3A_263 = arith.constant 4 : i32
            %add3A_264 = arith.addi %mul3A_262, %add3A_263 : i32
            %mul3A_265 = vector.broadcast %add3A_264 : i32 to vector<16xi32>
            %mul3A_266 = arith.muli %broadcast_in_dim3A_260, %mul3A_265 : vector<16xi32>
            %gather3A_267 = tpu.vector_load_idx %arg8[%mul3A_266, %and3A_213] : memref<64x512xf32, #tpu.memory_space<vmem>>[vector<16xi32>, vector<16xi32>], vector<16xf32>,
            tpu.vector_store_idx %arg10[%iota3A, %mul3A_266], %gather3A_267 : memref<16x128xf32, #tpu.memory_space<vmem>>[vector<16xi32>, vector<16xi32>], vector<16xf32>,
            %broadcast_in_dim3A_268 = arith.constant 1 : i32
            %broadcast_in_dim3A_269 = vector.broadcast %broadcast_in_dim3A_268 : i32 to vector<16xi32>
            %mul3A_270 = arith.constant 16 : i32
            %mul3A_271 = arith.muli %scan3A_223, %mul3A_270 : i32
            %add3A_272 = arith.constant 5 : i32
            %add3A_273 = arith.addi %mul3A_271, %add3A_272 : i32
            %mul3A_274 = vector.broadcast %add3A_273 : i32 to vector<16xi32>
            %mul3A_275 = arith.muli %broadcast_in_dim3A_269, %mul3A_274 : vector<16xi32>
            %gather3A_276 = tpu.vector_load_idx %arg8[%mul3A_275, %and3A_213] : memref<64x512xf32, #tpu.memory_space<vmem>>[vector<16xi32>, vector<16xi32>], vector<16xf32>,
            tpu.vector_store_idx %arg10[%iota3A, %mul3A_275], %gather3A_276 : memref<16x128xf32, #tpu.memory_space<vmem>>[vector<16xi32>, vector<16xi32>], vector<16xf32>,
            %broadcast_in_dim3A_277 = arith.constant 1 : i32
            %broadcast_in_dim3A_278 = vector.broadcast %broadcast_in_dim3A_277 : i32 to vector<16xi32>
            %mul3A_279 = arith.constant 16 : i32
            %mul3A_280 = arith.muli %scan3A_223, %mul3A_279 : i32
            %add3A_281 = arith.constant 6 : i32
            %add3A_282 = arith.addi %mul3A_280, %add3A_281 : i32
            %mul3A_283 = vector.broadcast %add3A_282 : i32 to vector<16xi32>
            %mul3A_284 = arith.muli %broadcast_in_dim3A_278, %mul3A_283 : vector<16xi32>
            %gather3A_285 = tpu.vector_load_idx %arg8[%mul3A_284, %and3A_213] : memref<64x512xf32, #tpu.memory_space<vmem>>[vector<16xi32>, vector<16xi32>], vector<16xf32>,
            tpu.vector_store_idx %arg10[%iota3A, %mul3A_284], %gather3A_285 : memref<16x128xf32, #tpu.memory_space<vmem>>[vector<16xi32>, vector<16xi32>], vector<16xf32>,
            %broadcast_in_dim3A_286 = arith.constant 1 : i32
            %broadcast_in_dim3A_287 = vector.broadcast %broadcast_in_dim3A_286 : i32 to vector<16xi32>
            %mul3A_288 = arith.constant 16 : i32
            %mul3A_289 = arith.muli %scan3A_223, %mul3A_288 : i32
            %add3A_290 = arith.constant 7 : i32
            %add3A_291 = arith.addi %mul3A_289, %add3A_290 : i32
            %mul3A_292 = vector.broadcast %add3A_291 : i32 to vector<16xi32>
            %mul3A_293 = arith.muli %broadcast_in_dim3A_287, %mul3A_292 : vector<16xi32>
            %gather3A_294 = tpu.vector_load_idx %arg8[%mul3A_293, %and3A_213] : memref<64x512xf32, #tpu.memory_space<vmem>>[vector<16xi32>, vector<16xi32>], vector<16xf32>,
            tpu.vector_store_idx %arg10[%iota3A, %mul3A_293], %gather3A_294 : memref<16x128xf32, #tpu.memory_space<vmem>>[vector<16xi32>, vector<16xi32>], vector<16xf32>,
            %broadcast_in_dim3A_295 = arith.constant 1 : i32
            %broadcast_in_dim3A_296 = vector.broadcast %broadcast_in_dim3A_295 : i32 to vector<16xi32>
            %mul3A_297 = arith.constant 16 : i32
            %mul3A_298 = arith.muli %scan3A_223, %mul3A_297 : i32
            %add3A_299 = arith.constant 8 : i32
            %add3A_300 = arith.addi %mul3A_298, %add3A_299 : i32
            %mul3A_301 = vector.broadcast %add3A_300 : i32 to vector<16xi32>
            %mul3A_302 = arith.muli %broadcast_in_dim3A_296, %mul3A_301 : vector<16xi32>
            %gather3A_303 = tpu.vector_load_idx %arg8[%mul3A_302, %and3A_213] : memref<64x512xf32, #tpu.memory_space<vmem>>[vector<16xi32>, vector<16xi32>], vector<16xf32>,
            tpu.vector_store_idx %arg10[%iota3A, %mul3A_302], %gather3A_303 : memref<16x128xf32, #tpu.memory_space<vmem>>[vector<16xi32>, vector<16xi32>], vector<16xf32>,
            %broadcast_in_dim3A_304 = arith.constant 1 : i32
            %broadcast_in_dim3A_305 = vector.broadcast %broadcast_in_dim3A_304 : i32 to vector<16xi32>
            %mul3A_306 = arith.constant 16 : i32
            %mul3A_307 = arith.muli %scan3A_223, %mul3A_306 : i32
            %add3A_308 = arith.constant 9 : i32
            %add3A_309 = arith.addi %mul3A_307, %add3A_308 : i32
            %mul3A_310 = vector.broadcast %add3A_309 : i32 to vector<16xi32>
            %mul3A_311 = arith.muli %broadcast_in_dim3A_305, %mul3A_310 : vector<16xi32>
            %gather3A_312 = tpu.vector_load_idx %arg8[%mul3A_311, %and3A_213] : memref<64x512xf32, #tpu.memory_space<vmem>>[vector<16xi32>, vector<16xi32>], vector<16xf32>,
            tpu.vector_store_idx %arg10[%iota3A, %mul3A_311], %gather3A_312 : memref<16x128xf32, #tpu.memory_space<vmem>>[vector<16xi32>, vector<16xi32>], vector<16xf32>,
            %broadcast_in_dim3A_313 = arith.constant 1 : i32
            %broadcast_in_dim3A_314 = vector.broadcast %broadcast_in_dim3A_313 : i32 to vector<16xi32>
            %mul3A_315 = arith.constant 16 : i32
            %mul3A_316 = arith.muli %scan3A_223, %mul3A_315 : i32
            %add3A_317 = arith.constant 10 : i32
            %add3A_318 = arith.addi %mul3A_316, %add3A_317 : i32
            %mul3A_319 = vector.broadcast %add3A_318 : i32 to vector<16xi32>
            %mul3A_320 = arith.muli %broadcast_in_dim3A_314, %mul3A_319 : vector<16xi32>
            %gather3A_321 = tpu.vector_load_idx %arg8[%mul3A_320, %and3A_213] : memref<64x512xf32, #tpu.memory_space<vmem>>[vector<16xi32>, vector<16xi32>], vector<16xf32>,
            tpu.vector_store_idx %arg10[%iota3A, %mul3A_320], %gather3A_321 : memref<16x128xf32, #tpu.memory_space<vmem>>[vector<16xi32>, vector<16xi32>], vector<16xf32>,
            %broadcast_in_dim3A_322 = arith.constant 1 : i32
            %broadcast_in_dim3A_323 = vector.broadcast %broadcast_in_dim3A_322 : i32 to vector<16xi32>
            %mul3A_324 = arith.constant 16 : i32
            %mul3A_325 = arith.muli %scan3A_223, %mul3A_324 : i32
            %add3A_326 = arith.constant 11 : i32
            %add3A_327 = arith.addi %mul3A_325, %add3A_326 : i32
            %mul3A_328 = vector.broadcast %add3A_327 : i32 to vector<16xi32>
            %mul3A_329 = arith.muli %broadcast_in_dim3A_323, %mul3A_328 : vector<16xi32>
            %gather3A_330 = tpu.vector_load_idx %arg8[%mul3A_329, %and3A_213] : memref<64x512xf32, #tpu.memory_space<vmem>>[vector<16xi32>, vector<16xi32>], vector<16xf32>,
            tpu.vector_store_idx %arg10[%iota3A, %mul3A_329], %gather3A_330 : memref<16x128xf32, #tpu.memory_space<vmem>>[vector<16xi32>, vector<16xi32>], vector<16xf32>,
            %broadcast_in_dim3A_331 = arith.constant 1 : i32
            %broadcast_in_dim3A_332 = vector.broadcast %broadcast_in_dim3A_331 : i32 to vector<16xi32>
            %mul3A_333 = arith.constant 16 : i32
            %mul3A_334 = arith.muli %scan3A_223, %mul3A_333 : i32
            %add3A_335 = arith.constant 12 : i32
            %add3A_336 = arith.addi %mul3A_334, %add3A_335 : i32
            %mul3A_337 = vector.broadcast %add3A_336 : i32 to vector<16xi32>
            %mul3A_338 = arith.muli %broadcast_in_dim3A_332, %mul3A_337 : vector<16xi32>
            %gather3A_339 = tpu.vector_load_idx %arg8[%mul3A_338, %and3A_213] : memref<64x512xf32, #tpu.memory_space<vmem>>[vector<16xi32>, vector<16xi32>], vector<16xf32>,
            tpu.vector_store_idx %arg10[%iota3A, %mul3A_338], %gather3A_339 : memref<16x128xf32, #tpu.memory_space<vmem>>[vector<16xi32>, vector<16xi32>], vector<16xf32>,
            %broadcast_in_dim3A_340 = arith.constant 1 : i32
            %broadcast_in_dim3A_341 = vector.broadcast %broadcast_in_dim3A_340 : i32 to vector<16xi32>
            %mul3A_342 = arith.constant 16 : i32
            %mul3A_343 = arith.muli %scan3A_223, %mul3A_342 : i32
            %add3A_344 = arith.constant 13 : i32
            %add3A_345 = arith.addi %mul3A_343, %add3A_344 : i32
            %mul3A_346 = vector.broadcast %add3A_345 : i32 to vector<16xi32>
            %mul3A_347 = arith.muli %broadcast_in_dim3A_341, %mul3A_346 : vector<16xi32>
            %gather3A_348 = tpu.vector_load_idx %arg8[%mul3A_347, %and3A_213] : memref<64x512xf32, #tpu.memory_space<vmem>>[vector<16xi32>, vector<16xi32>], vector<16xf32>,
            tpu.vector_store_idx %arg10[%iota3A, %mul3A_347], %gather3A_348 : memref<16x128xf32, #tpu.memory_space<vmem>>[vector<16xi32>, vector<16xi32>], vector<16xf32>,
            %broadcast_in_dim3A_349 = arith.constant 1 : i32
            %broadcast_in_dim3A_350 = vector.broadcast %broadcast_in_dim3A_349 : i32 to vector<16xi32>
            %mul3A_351 = arith.constant 16 : i32
            %mul3A_352 = arith.muli %scan3A_223, %mul3A_351 : i32
            %add3A_353 = arith.constant 14 : i32
            %add3A_354 = arith.addi %mul3A_352, %add3A_353 : i32
            %mul3A_355 = vector.broadcast %add3A_354 : i32 to vector<16xi32>
            %mul3A_356 = arith.muli %broadcast_in_dim3A_350, %mul3A_355 : vector<16xi32>
            %gather3A_357 = tpu.vector_load_idx %arg8[%mul3A_356, %and3A_213] : memref<64x512xf32, #tpu.memory_space<vmem>>[vector<16xi32>, vector<16xi32>], vector<16xf32>,
            tpu.vector_store_idx %arg10[%iota3A, %mul3A_356], %gather3A_357 : memref<16x128xf32, #tpu.memory_space<vmem>>[vector<16xi32>, vector<16xi32>], vector<16xf32>,
            %broadcast_in_dim3A_358 = arith.constant 1 : i32
            %broadcast_in_dim3A_359 = vector.broadcast %broadcast_in_dim3A_358 : i32 to vector<16xi32>
            %mul3A_360 = arith.constant 16 : i32
            %mul3A_361 = arith.muli %scan3A_223, %mul3A_360 : i32
            %add3A_362 = arith.constant 15 : i32
            %add3A_363 = arith.addi %mul3A_361, %add3A_362 : i32
            %mul3A_364 = vector.broadcast %add3A_363 : i32 to vector<16xi32>
            %mul3A_365 = arith.muli %broadcast_in_dim3A_359, %mul3A_364 : vector<16xi32>
            %gather3A_366 = tpu.vector_load_idx %arg8[%mul3A_365, %and3A_213] : memref<64x512xf32, #tpu.memory_space<vmem>>[vector<16xi32>, vector<16xi32>], vector<16xf32>,
            tpu.vector_store_idx %arg10[%iota3A, %mul3A_365], %gather3A_366 : memref<16x128xf32, #tpu.memory_space<vmem>>[vector<16xi32>, vector<16xi32>], vector<16xf32>,
          }
          %scan3A_222 = arith.constant 4 : i32
          "tpu.region"() ({
            %run_scoped3A = tpu.sem_alloc : memref<!tpu.dma_semaphore, #tpu.memory_space<semaphore_mem>>
            %dma_start3A = arith.constant 0 : i32
            %dma_start3A_223 = arith.constant 0 : i32
            %dma_start3A_224 = tpu.memref_slice %arg4[%dma_start3A, %dma_start3A_223] : memref<4112x128xf32, #tpu.memory_space<hbm>> -> memref<4112x128xf32, #tpu.memory_space<hbm>>
            tpu.enqueue_indirect_dma source(%arg10 : memref<16x128xf32, #tpu.memory_space<vmem>>) target(%dma_start3A_224 : memref<4112x128xf32, #tpu.memory_space<hbm>>) offsets(%and3A_216 : vector<16xi32>) semaphore(%run_scoped3A : memref<!tpu.dma_semaphore, #tpu.memory_space<semaphore_mem>>)
            %dma_wait3A = arith.constant 0 : i32
            %dma_wait3A_225 = arith.constant 0 : i32
            %dma_wait3A_226 = tpu.memref_slice %arg4[%dma_wait3A, %dma_wait3A_225] : memref<4112x128xf32, #tpu.memory_space<hbm>> -> memref<4112x128xf32, #tpu.memory_space<hbm>>
            tpu.wait_indirect_dma semaphore(%run_scoped3A : memref<!tpu.dma_semaphore, #tpu.memory_space<semaphore_mem>>) src(%arg10 : memref<16x128xf32, #tpu.memory_space<vmem>>) dst(%dma_wait3A_226 : memref<4112x128xf32, #tpu.memory_space<hbm>>)
            tpu.yield
          }) : () -> ()
        }
      } else {
      }
      %add3A_67 = arith.constant 2 : i32
      %add3A_68 = arith.addi %mul3A_42, %add3A_67 : i32
      %mul3A_69 = arith.constant 32 : i32
      %mul3A_70 = arith.muli %add3A_68, %mul3A_69 : i32
      %add3A_71 = arith.addi %add3A, %mul3A_70 : i32
      %mul3A_72 = arith.constant 512 : i32
      %mul3A_73 = arith.muli %add3A_71, %mul3A_72 : i32
      %multiple_of3A_74 = tpu.assume_multiple %mul3A_73, 512 : i32
      %lt3A_75 = arith.constant 195 : i32
      %lt3A_76 = arith.cmpi slt, %add3A_71, %lt3A_75 : i32
      %convert_element_type3A_77 = arith.extui %lt3A_76 : i1 to i32
      %cond3A_78 = arith.constant 0 : i32
      %cond3A_79 = arith.cmpi ne, %convert_element_type3A_77, %cond3A_78 : i32
      scf.if %cond3A_79 {
        %dma_start3A = arith.constant 0 : i32
        %dma_start3A_129 = tpu.memref_slice %arg2[%dma_start3A, %multiple_of3A_74] : memref<64x100000xf32, #tpu.memory_space<hbm>> -> memref<64x512xf32, #tpu.memory_space<hbm>>
        %dma_start3A_130 = arith.constant 0 : i32
        %dma_start3A_131 = tpu.memref_slice %arg2[%dma_start3A_130, %multiple_of3A_74] : memref<64x100000xf32, #tpu.memory_space<hbm>> -> memref<64x512xf32, #tpu.memory_space<hbm>>
        tpu.enqueue_dma source(%dma_start3A_131 : memref<64x512xf32, #tpu.memory_space<hbm>>) target(%arg8 : memref<64x512xf32, #tpu.memory_space<vmem>>) target_semaphore(%arg11 : memref<!tpu.dma_semaphore, #tpu.memory_space<semaphore_mem>>)
      } else {
      }
      %eq3A_80 = arith.constant 195 : i32
      %eq3A_81 = arith.cmpi eq, %add3A_71, %eq3A_80 : i32
      %convert_element_type3A_82 = arith.extui %eq3A_81 : i1 to i32
      %cond3A_83 = arith.constant 0 : i32
      %cond3A_84 = arith.cmpi ne, %convert_element_type3A_82, %cond3A_83 : i32
      scf.if %cond3A_84 {
        %dma_start3A = arith.constant 0 : i32
        %dma_start3A_129 = arith.constant 0 : i32
        %dma_start3A_130 = tpu.memref_slice %arg8[%dma_start3A, %dma_start3A_129] : memref<64x512xf32, #tpu.memory_space<vmem>> -> memref<64x256xf32, #tpu.memory_space<vmem>>
        %dma_start3A_131 = arith.constant 0 : i32
        %dma_start3A_132 = tpu.memref_slice %arg2[%dma_start3A_131, %multiple_of3A_74] : memref<64x100000xf32, #tpu.memory_space<hbm>> -> memref<64x256xf32, #tpu.memory_space<hbm>>
        %dma_start3A_133 = arith.constant 0 : i32
        %dma_start3A_134 = arith.constant 0 : i32
        %dma_start3A_135 = tpu.memref_slice %arg8[%dma_start3A_133, %dma_start3A_134] : memref<64x512xf32, #tpu.memory_space<vmem>> -> memref<64x256xf32, #tpu.memory_space<vmem>>
        %dma_start3A_136 = arith.constant 0 : i32
        %dma_start3A_137 = tpu.memref_slice %arg2[%dma_start3A_136, %multiple_of3A_74] : memref<64x100000xf32, #tpu.memory_space<hbm>> -> memref<64x256xf32, #tpu.memory_space<hbm>>
        tpu.enqueue_dma source(%dma_start3A_137 : memref<64x256xf32, #tpu.memory_space<hbm>>) target(%dma_start3A_135 : memref<64x256xf32, #tpu.memory_space<vmem>>) target_semaphore(%arg11 : memref<!tpu.dma_semaphore, #tpu.memory_space<semaphore_mem>>)
      } else {
      }
      %add3A_85 = arith.constant 1 : i32
      %add3A_86 = arith.addi %mul3A_42, %add3A_85 : i32
      %mul3A_87 = arith.constant 32 : i32
      %mul3A_88 = arith.muli %add3A_86, %mul3A_87 : i32
      %add3A_89 = arith.addi %add3A, %mul3A_88 : i32
      %mul3A_90 = arith.constant 32 : i32
      %mul3A_91 = arith.muli %add3A_86, %mul3A_90 : i32
      %add3A_92 = arith.addi %add3A, %mul3A_91 : i32
      %mul3A_93 = arith.constant 512 : i32
      %mul3A_94 = arith.muli %add3A_92, %mul3A_93 : i32
      %multiple_of3A_95 = tpu.assume_multiple %mul3A_94, 512 : i32
      %lt3A_96 = arith.constant 195 : i32
      %lt3A_97 = arith.cmpi slt, %add3A_92, %lt3A_96 : i32
      %convert_element_type3A_98 = arith.extui %lt3A_97 : i1 to i32
      %cond3A_99 = arith.constant 0 : i32
      %cond3A_100 = arith.cmpi ne, %convert_element_type3A_98, %cond3A_99 : i32
      scf.if %cond3A_100 {
        %dma_wait3A = arith.constant 0 : i32
        %dma_wait3A_129 = tpu.memref_slice %arg2[%dma_wait3A, %multiple_of3A_95] : memref<64x100000xf32, #tpu.memory_space<hbm>> -> memref<64x512xf32, #tpu.memory_space<hbm>>
        %dma_wait3A_130 = arith.constant 0 : i32
        %dma_wait3A_131 = tpu.memref_slice %arg2[%dma_wait3A_130, %multiple_of3A_95] : memref<64x100000xf32, #tpu.memory_space<hbm>> -> memref<64x512xf32, #tpu.memory_space<hbm>>
        tpu.wait_dma2 semaphore(%arg12 : memref<!tpu.dma_semaphore, #tpu.memory_space<semaphore_mem>>) src(%dma_wait3A_131 : memref<64x512xf32, #tpu.memory_space<hbm>>) dst(%arg9 : memref<64x512xf32, #tpu.memory_space<vmem>>)
      } else {
      }
      %eq3A_101 = arith.constant 195 : i32
      %eq3A_102 = arith.cmpi eq, %add3A_92, %eq3A_101 : i32
      %convert_element_type3A_103 = arith.extui %eq3A_102 : i1 to i32
      %cond3A_104 = arith.constant 0 : i32
      %cond3A_105 = arith.cmpi ne, %convert_element_type3A_103, %cond3A_104 : i32
      scf.if %cond3A_105 {
        %dma_wait3A = arith.constant 0 : i32
        %dma_wait3A_129 = arith.constant 0 : i32
        %dma_wait3A_130 = tpu.memref_slice %arg9[%dma_wait3A, %dma_wait3A_129] : memref<64x512xf32, #tpu.memory_space<vmem>> -> memref<64x256xf32, #tpu.memory_space<vmem>>
        %dma_wait3A_131 = arith.constant 0 : i32
        %dma_wait3A_132 = tpu.memref_slice %arg2[%dma_wait3A_131, %multiple_of3A_95] : memref<64x100000xf32, #tpu.memory_space<hbm>> -> memref<64x256xf32, #tpu.memory_space<hbm>>
        %dma_wait3A_133 = arith.constant 0 : i32
        %dma_wait3A_134 = arith.constant 0 : i32
        %dma_wait3A_135 = tpu.memref_slice %arg9[%dma_wait3A_133, %dma_wait3A_134] : memref<64x512xf32, #tpu.memory_space<vmem>> -> memref<64x256xf32, #tpu.memory_space<vmem>>
        %dma_wait3A_136 = arith.constant 0 : i32
        %dma_wait3A_137 = tpu.memref_slice %arg2[%dma_wait3A_136, %multiple_of3A_95] : memref<64x100000xf32, #tpu.memory_space<hbm>> -> memref<64x256xf32, #tpu.memory_space<hbm>>
        tpu.wait_dma2 semaphore(%arg12 : memref<!tpu.dma_semaphore, #tpu.memory_space<semaphore_mem>>) src(%dma_wait3A_137 : memref<64x256xf32, #tpu.memory_space<hbm>>) dst(%dma_wait3A_135 : memref<64x256xf32, #tpu.memory_space<vmem>>)
      } else {
      }
      %lt3A_106 = arith.constant 196 : i32
      %lt3A_107 = arith.cmpi slt, %add3A_89, %lt3A_106 : i32
      %convert_element_type3A_108 = arith.extui %lt3A_107 : i1 to i32
      %cond3A_109 = arith.constant 0 : i32
      %cond3A_110 = arith.cmpi ne, %convert_element_type3A_108, %cond3A_109 : i32
      scf.if %cond3A_110 {
        %add3A_129 = arith.constant 16 : i32
        %add3A_130 = arith.addi %scan3A_30, %add3A_129 : i32
        %sub3A = arith.constant 1 : i32
        %sub3A_131 = arith.subi %add3A_130, %sub3A : i32
        %jit3A = arith.constant 16 : i32
        %div3A = arith.divsi %sub3A_131, %jit3A : i32
        %sign3A = arith.constant 0 : i32
        %sign3A_132 = arith.cmpi sgt, %sub3A_131, %sign3A : i32
        %sign3A_133 = arith.extui %sign3A_132 : i1 to i32
        %sign3A_134 = arith.constant 0 : i32
        %sign3A_135 = arith.cmpi slt, %sub3A_131, %sign3A_134 : i32
        %sign3A_136 = arith.extui %sign3A_135 : i1 to i32
        %sign3A_137 = arith.subi %sign3A_133, %sign3A_136 : i32
        %sign3A_138 = arith.constant 0 : i32
        %sign3A_139 = arith.cmpi sgt, %jit3A, %sign3A_138 : i32
        %sign3A_140 = arith.extui %sign3A_139 : i1 to i32
        %sign3A_141 = arith.constant 0 : i32
        %sign3A_142 = arith.cmpi slt, %jit3A, %sign3A_141 : i32
        %sign3A_143 = arith.extui %sign3A_142 : i1 to i32
        %sign3A_144 = arith.subi %sign3A_140, %sign3A_143 : i32
        %ne3A = arith.cmpi ne, %sign3A_137, %sign3A_144 : i32
        %rem3A = arith.remsi %sub3A_131, %jit3A : i32
        %ne3A_145 = arith.constant 0 : i32
        %ne3A_146 = arith.cmpi ne, %rem3A, %ne3A_145 : i32
        %and3A = arith.andi %ne3A, %ne3A_146 : i1
        %sub3A_147 = arith.constant 1 : i32
        %sub3A_148 = arith.subi %div3A, %sub3A_147 : i32
        %select_n3A = arith.select %and3A, %sub3A_148, %div3A : i32
        %while3A = arith.constant 0 : i32
        %while3A_149 = arith.constant 0 : i32
        %while3A_150 = arith.subi %select_n3A, %while3A : i32
        %while3A_151 = arith.addi %while3A, %while3A_150 : i32
        %while3A_152 = arith.constant 1 : i32
        %while3A_153 = arith.divsi %while3A_150, %while3A_152 : i32
        %while3A_154 = arith.muli %while3A_153, %while3A_152 : i32
        %while3A_155 = arith.addi %while3A, %while3A_154 : i32
        %while3A_156 = arith.constant 1 : i32
        %while3A_157 = scf.for %while3A_205 = %while3A to %while3A_155 step %while3A_156 iter_args(%while3A_206 = %while3A_149) -> (i32)  : i32 {
          %mul3A_207 = arith.constant 16 : i32
          %mul3A_208 = arith.muli %while3A_205, %mul3A_207 : i32
          %get3A = arith.index_cast %mul3A_208 : i32 to index
          %get3A_209 = tpu.vector_load %arg6[%get3A] {strides = array<i32>} : memref<4112xi32, #tpu.memory_space<vmem>>, vector<16xi32>,
          %shift_right_arithmetic3A = arith.constant 22 : i32
          %shift_right_arithmetic3A_210 = vector.broadcast %shift_right_arithmetic3A : i32 to vector<16xi32>
          %shift_right_arithmetic3A_211 = arith.shrsi %get3A_209, %shift_right_arithmetic3A_210 : vector<16xi32>
          %eq3A_212 = vector.broadcast %add3A_89 : i32 to vector<16xi32>
          %eq3A_213 = arith.cmpi eq, %shift_right_arithmetic3A_211, %eq3A_212 : vector<16xi32>
          %swap3A_214 = arith.index_cast %while3A_206 : i32 to index
          %swap3A_215 = tpu.vector_load %arg7[%swap3A_214] masked %eq3A_213 {strides = array<i32>} : memref<4112xi32, #tpu.memory_space<vmem>>, vector<16xi32>, vector<16xi1>
          tpu.vector_store %arg7[%swap3A_214], %get3A_209 masked %eq3A_213 {strides = array<i32>} : memref<4112xi32, #tpu.memory_space<vmem>>, vector<16xi32>, vector<16xi1>
          %all_reduce_population_count3A = tpu.all_reduce %eq3A_213 {dim = 0 : i64, kind = #tpu.reduction_kind<sum>} : vector<16xi1> -> vector<16xi32>
          %reduce_max3A = arith.constant true
          %reduce_max3A_216 = vector.broadcast %reduce_max3A : i1 to vector<16xi1>
          %reduce_max3A_217 = arith.constant -2147483648 : i32
          %reduce_max3A_218 = vector.broadcast %reduce_max3A_217 : i32 to vector<16xi32>
          %reduce_max3A_219 = arith.xori %all_reduce_population_count3A, %reduce_max3A_218 : vector<16xi32>
          %reduce_max3A_220 = tpu.scan <max>, %reduce_max3A_219 masked %reduce_max3A_216 : vector<16xi32>, vector<16xi1> -> vector<16xi32>
          %reduce_max3A_221 = arith.xori %reduce_max3A_220, %reduce_max3A_218 : vector<16xi32>
          %reduce_max3A_222 = vector.extract %reduce_max3A_221[15] : i32 from vector<16xi32>
          %add3A_223 = arith.addi %while3A_206, %reduce_max3A_222 : i32
          scf.yield %add3A_223 : i32
        }
        %while3A_158 = arith.constant 1 : i32
        %while3A_159 = scf.for %while3A_205 = %while3A_155 to %while3A_151 step %while3A_158 iter_args(%while3A_206 = %while3A_157) -> (i32)  : i32 {
          %mul3A_207 = arith.constant 16 : i32
          %mul3A_208 = arith.muli %while3A_205, %mul3A_207 : i32
          %get3A = arith.index_cast %mul3A_208 : i32 to index
          %get3A_209 = tpu.vector_load %arg6[%get3A] {strides = array<i32>} : memref<4112xi32, #tpu.memory_space<vmem>>, vector<16xi32>,
          %shift_right_arithmetic3A = arith.constant 22 : i32
          %shift_right_arithmetic3A_210 = vector.broadcast %shift_right_arithmetic3A : i32 to vector<16xi32>
          %shift_right_arithmetic3A_211 = arith.shrsi %get3A_209, %shift_right_arithmetic3A_210 : vector<16xi32>
          %eq3A_212 = vector.broadcast %add3A_89 : i32 to vector<16xi32>
          %eq3A_213 = arith.cmpi eq, %shift_right_arithmetic3A_211, %eq3A_212 : vector<16xi32>
          %swap3A_214 = arith.index_cast %while3A_206 : i32 to index
          %swap3A_215 = tpu.vector_load %arg7[%swap3A_214] masked %eq3A_213 {strides = array<i32>} : memref<4112xi32, #tpu.memory_space<vmem>>, vector<16xi32>, vector<16xi1>
          tpu.vector_store %arg7[%swap3A_214], %get3A_209 masked %eq3A_213 {strides = array<i32>} : memref<4112xi32, #tpu.memory_space<vmem>>, vector<16xi32>, vector<16xi1>
          %all_reduce_population_count3A = tpu.all_reduce %eq3A_213 {dim = 0 : i64, kind = #tpu.reduction_kind<sum>} : vector<16xi1> -> vector<16xi32>
          %reduce_max3A = arith.constant true
          %reduce_max3A_216 = vector.broadcast %reduce_max3A : i1 to vector<16xi1>
          %reduce_max3A_217 = arith.constant -2147483648 : i32
          %reduce_max3A_218 = vector.broadcast %reduce_max3A_217 : i32 to vector<16xi32>
          %reduce_max3A_219 = arith.xori %all_reduce_population_count3A, %reduce_max3A_218 : vector<16xi32>
          %reduce_max3A_220 = tpu.scan <max>, %reduce_max3A_219 masked %reduce_max3A_216 : vector<16xi32>, vector<16xi1> -> vector<16xi32>
          %reduce_max3A_221 = arith.xori %reduce_max3A_220, %reduce_max3A_218 : vector<16xi32>
          %reduce_max3A_222 = vector.extract %reduce_max3A_221[15] : i32 from vector<16xi32>
          %add3A_223 = arith.addi %while3A_206, %reduce_max3A_222 : i32
          scf.yield %add3A_223 : i32
        }
        %add3A_160 = arith.constant 4096 : i32
        %add3A_161 = vector.broadcast %add3A_160 : i32 to vector<16xi32>
        %add3A_162 = arith.addi %add3A_161, %iota3A : vector<16xi32>
        %or3A = arith.constant 2088960 : i32
        %or3A_163 = vector.broadcast %or3A : i32 to vector<16xi32>
        %or3A_164 = arith.ori %add3A_162, %or3A_163 : vector<16xi32>
        %swap3A_165 = arith.index_cast %while3A_159 : i32 to index
        %swap3A_166 = tpu.vector_load %arg7[%swap3A_165] {strides = array<i32>} : memref<4112xi32, #tpu.memory_space<vmem>>, vector<16xi32>,
        tpu.vector_store %arg7[%swap3A_165], %or3A_164 {strides = array<i32>} : memref<4112xi32, #tpu.memory_space<vmem>>, vector<16xi32>,
        %add3A_167 = arith.constant 16 : i32
        %add3A_168 = arith.addi %while3A_159, %add3A_167 : i32
        %sub3A_169 = arith.constant 1 : i32
        %sub3A_170 = arith.subi %add3A_168, %sub3A_169 : i32
        %jit3A_171 = arith.constant 16 : i32
        %div3A_172 = arith.divsi %sub3A_170, %jit3A_171 : i32
        %sign3A_173 = arith.constant 0 : i32
        %sign3A_174 = arith.cmpi sgt, %sub3A_170, %sign3A_173 : i32
        %sign3A_175 = arith.extui %sign3A_174 : i1 to i32
        %sign3A_176 = arith.constant 0 : i32
        %sign3A_177 = arith.cmpi slt, %sub3A_170, %sign3A_176 : i32
        %sign3A_178 = arith.extui %sign3A_177 : i1 to i32
        %sign3A_179 = arith.subi %sign3A_175, %sign3A_178 : i32
        %sign3A_180 = arith.constant 0 : i32
        %sign3A_181 = arith.cmpi sgt, %jit3A_171, %sign3A_180 : i32
        %sign3A_182 = arith.extui %sign3A_181 : i1 to i32
        %sign3A_183 = arith.constant 0 : i32
        %sign3A_184 = arith.cmpi slt, %jit3A_171, %sign3A_183 : i32
        %sign3A_185 = arith.extui %sign3A_184 : i1 to i32
        %sign3A_186 = arith.subi %sign3A_182, %sign3A_185 : i32
        %ne3A_187 = arith.cmpi ne, %sign3A_179, %sign3A_186 : i32
        %rem3A_188 = arith.remsi %sub3A_170, %jit3A_171 : i32
        %ne3A_189 = arith.constant 0 : i32
        %ne3A_190 = arith.cmpi ne, %rem3A_188, %ne3A_189 : i32
        %and3A_191 = arith.andi %ne3A_187, %ne3A_190 : i1
        %sub3A_192 = arith.constant 1 : i32
        %sub3A_193 = arith.subi %div3A_172, %sub3A_192 : i32
        %select_n3A_194 = arith.select %and3A_191, %sub3A_193, %div3A_172 : i32
        %while3A_195 = arith.constant 0 : i32
        %while3A_196 = arith.constant 0 : i32
        %while3A_197 = arith.subi %select_n3A_194, %while3A_196 : i32
        %while3A_198 = arith.addi %while3A_196, %while3A_197 : i32
        %while3A_199 = arith.constant 1 : i32
        %while3A_200 = arith.divsi %while3A_197, %while3A_199 : i32
        %while3A_201 = arith.muli %while3A_200, %while3A_199 : i32
        %while3A_202 = arith.addi %while3A_196, %while3A_201 : i32
        %while3A_203 = arith.constant 1 : i32
        scf.for %while3A_205 = %while3A_196 to %while3A_202 step %while3A_203  : i32 {
          %mul3A_206 = arith.constant 16 : i32
          %mul3A_207 = arith.muli %while3A_205, %mul3A_206 : i32
          %get3A = arith.index_cast %mul3A_207 : i32 to index
          %get3A_208 = tpu.vector_load %arg7[%get3A] {strides = array<i32>} : memref<4112xi32, #tpu.memory_space<vmem>>, vector<16xi32>,
          %shift_right_arithmetic3A = arith.constant 13 : i32
          %shift_right_arithmetic3A_209 = vector.broadcast %shift_right_arithmetic3A : i32 to vector<16xi32>
          %shift_right_arithmetic3A_210 = arith.shrsi %get3A_208, %shift_right_arithmetic3A_209 : vector<16xi32>
          %and3A_211 = arith.constant 511 : i32
          %and3A_212 = vector.broadcast %and3A_211 : i32 to vector<16xi32>
          %and3A_213 = arith.andi %shift_right_arithmetic3A_210, %and3A_212 : vector<16xi32>
          %and3A_214 = arith.constant 8191 : i32
          %and3A_215 = vector.broadcast %and3A_214 : i32 to vector<16xi32>
          %and3A_216 = arith.andi %get3A_208, %and3A_215 : vector<16xi32>
          %scan3A_217 = arith.constant 0 : i32
          %scan3A_218 = arith.constant 0 : i32
          %scan3A_219 = arith.constant 4 : i32
          %scan3A_220 = arith.addi %scan3A_218, %scan3A_219 : i32
          %scan3A_221 = arith.constant 1 : i32
          scf.for %scan3A_223 = %scan3A_218 to %scan3A_220 step %scan3A_221  : i32 {
            %broadcast_in_dim3A_224 = arith.constant 1 : i32
            %broadcast_in_dim3A_225 = vector.broadcast %broadcast_in_dim3A_224 : i32 to vector<16xi32>
            %mul3A_226 = arith.constant 16 : i32
            %mul3A_227 = arith.muli %scan3A_223, %mul3A_226 : i32
            %add3A_228 = arith.constant 0 : i32
            %add3A_229 = arith.addi %mul3A_227, %add3A_228 : i32
            %mul3A_230 = vector.broadcast %add3A_229 : i32 to vector<16xi32>
            %mul3A_231 = arith.muli %broadcast_in_dim3A_225, %mul3A_230 : vector<16xi32>
            %gather3A = tpu.vector_load_idx %arg9[%mul3A_231, %and3A_213] : memref<64x512xf32, #tpu.memory_space<vmem>>[vector<16xi32>, vector<16xi32>], vector<16xf32>,
            tpu.vector_store_idx %arg10[%iota3A, %mul3A_231], %gather3A : memref<16x128xf32, #tpu.memory_space<vmem>>[vector<16xi32>, vector<16xi32>], vector<16xf32>,
            %broadcast_in_dim3A_232 = arith.constant 1 : i32
            %broadcast_in_dim3A_233 = vector.broadcast %broadcast_in_dim3A_232 : i32 to vector<16xi32>
            %mul3A_234 = arith.constant 16 : i32
            %mul3A_235 = arith.muli %scan3A_223, %mul3A_234 : i32
            %add3A_236 = arith.constant 1 : i32
            %add3A_237 = arith.addi %mul3A_235, %add3A_236 : i32
            %mul3A_238 = vector.broadcast %add3A_237 : i32 to vector<16xi32>
            %mul3A_239 = arith.muli %broadcast_in_dim3A_233, %mul3A_238 : vector<16xi32>
            %gather3A_240 = tpu.vector_load_idx %arg9[%mul3A_239, %and3A_213] : memref<64x512xf32, #tpu.memory_space<vmem>>[vector<16xi32>, vector<16xi32>], vector<16xf32>,
            tpu.vector_store_idx %arg10[%iota3A, %mul3A_239], %gather3A_240 : memref<16x128xf32, #tpu.memory_space<vmem>>[vector<16xi32>, vector<16xi32>], vector<16xf32>,
            %broadcast_in_dim3A_241 = arith.constant 1 : i32
            %broadcast_in_dim3A_242 = vector.broadcast %broadcast_in_dim3A_241 : i32 to vector<16xi32>
            %mul3A_243 = arith.constant 16 : i32
            %mul3A_244 = arith.muli %scan3A_223, %mul3A_243 : i32
            %add3A_245 = arith.constant 2 : i32
            %add3A_246 = arith.addi %mul3A_244, %add3A_245 : i32
            %mul3A_247 = vector.broadcast %add3A_246 : i32 to vector<16xi32>
            %mul3A_248 = arith.muli %broadcast_in_dim3A_242, %mul3A_247 : vector<16xi32>
            %gather3A_249 = tpu.vector_load_idx %arg9[%mul3A_248, %and3A_213] : memref<64x512xf32, #tpu.memory_space<vmem>>[vector<16xi32>, vector<16xi32>], vector<16xf32>,
            tpu.vector_store_idx %arg10[%iota3A, %mul3A_248], %gather3A_249 : memref<16x128xf32, #tpu.memory_space<vmem>>[vector<16xi32>, vector<16xi32>], vector<16xf32>,
            %broadcast_in_dim3A_250 = arith.constant 1 : i32
            %broadcast_in_dim3A_251 = vector.broadcast %broadcast_in_dim3A_250 : i32 to vector<16xi32>
            %mul3A_252 = arith.constant 16 : i32
            %mul3A_253 = arith.muli %scan3A_223, %mul3A_252 : i32
            %add3A_254 = arith.constant 3 : i32
            %add3A_255 = arith.addi %mul3A_253, %add3A_254 : i32
            %mul3A_256 = vector.broadcast %add3A_255 : i32 to vector<16xi32>
            %mul3A_257 = arith.muli %broadcast_in_dim3A_251, %mul3A_256 : vector<16xi32>
            %gather3A_258 = tpu.vector_load_idx %arg9[%mul3A_257, %and3A_213] : memref<64x512xf32, #tpu.memory_space<vmem>>[vector<16xi32>, vector<16xi32>], vector<16xf32>,
            tpu.vector_store_idx %arg10[%iota3A, %mul3A_257], %gather3A_258 : memref<16x128xf32, #tpu.memory_space<vmem>>[vector<16xi32>, vector<16xi32>], vector<16xf32>,
            %broadcast_in_dim3A_259 = arith.constant 1 : i32
            %broadcast_in_dim3A_260 = vector.broadcast %broadcast_in_dim3A_259 : i32 to vector<16xi32>
            %mul3A_261 = arith.constant 16 : i32
            %mul3A_262 = arith.muli %scan3A_223, %mul3A_261 : i32
            %add3A_263 = arith.constant 4 : i32
            %add3A_264 = arith.addi %mul3A_262, %add3A_263 : i32
            %mul3A_265 = vector.broadcast %add3A_264 : i32 to vector<16xi32>
            %mul3A_266 = arith.muli %broadcast_in_dim3A_260, %mul3A_265 : vector<16xi32>
            %gather3A_267 = tpu.vector_load_idx %arg9[%mul3A_266, %and3A_213] : memref<64x512xf32, #tpu.memory_space<vmem>>[vector<16xi32>, vector<16xi32>], vector<16xf32>,
            tpu.vector_store_idx %arg10[%iota3A, %mul3A_266], %gather3A_267 : memref<16x128xf32, #tpu.memory_space<vmem>>[vector<16xi32>, vector<16xi32>], vector<16xf32>,
            %broadcast_in_dim3A_268 = arith.constant 1 : i32
            %broadcast_in_dim3A_269 = vector.broadcast %broadcast_in_dim3A_268 : i32 to vector<16xi32>
            %mul3A_270 = arith.constant 16 : i32
            %mul3A_271 = arith.muli %scan3A_223, %mul3A_270 : i32
            %add3A_272 = arith.constant 5 : i32
            %add3A_273 = arith.addi %mul3A_271, %add3A_272 : i32
            %mul3A_274 = vector.broadcast %add3A_273 : i32 to vector<16xi32>
            %mul3A_275 = arith.muli %broadcast_in_dim3A_269, %mul3A_274 : vector<16xi32>
            %gather3A_276 = tpu.vector_load_idx %arg9[%mul3A_275, %and3A_213] : memref<64x512xf32, #tpu.memory_space<vmem>>[vector<16xi32>, vector<16xi32>], vector<16xf32>,
            tpu.vector_store_idx %arg10[%iota3A, %mul3A_275], %gather3A_276 : memref<16x128xf32, #tpu.memory_space<vmem>>[vector<16xi32>, vector<16xi32>], vector<16xf32>,
            %broadcast_in_dim3A_277 = arith.constant 1 : i32
            %broadcast_in_dim3A_278 = vector.broadcast %broadcast_in_dim3A_277 : i32 to vector<16xi32>
            %mul3A_279 = arith.constant 16 : i32
            %mul3A_280 = arith.muli %scan3A_223, %mul3A_279 : i32
            %add3A_281 = arith.constant 6 : i32
            %add3A_282 = arith.addi %mul3A_280, %add3A_281 : i32
            %mul3A_283 = vector.broadcast %add3A_282 : i32 to vector<16xi32>
            %mul3A_284 = arith.muli %broadcast_in_dim3A_278, %mul3A_283 : vector<16xi32>
            %gather3A_285 = tpu.vector_load_idx %arg9[%mul3A_284, %and3A_213] : memref<64x512xf32, #tpu.memory_space<vmem>>[vector<16xi32>, vector<16xi32>], vector<16xf32>,
            tpu.vector_store_idx %arg10[%iota3A, %mul3A_284], %gather3A_285 : memref<16x128xf32, #tpu.memory_space<vmem>>[vector<16xi32>, vector<16xi32>], vector<16xf32>,
            %broadcast_in_dim3A_286 = arith.constant 1 : i32
            %broadcast_in_dim3A_287 = vector.broadcast %broadcast_in_dim3A_286 : i32 to vector<16xi32>
            %mul3A_288 = arith.constant 16 : i32
            %mul3A_289 = arith.muli %scan3A_223, %mul3A_288 : i32
            %add3A_290 = arith.constant 7 : i32
            %add3A_291 = arith.addi %mul3A_289, %add3A_290 : i32
            %mul3A_292 = vector.broadcast %add3A_291 : i32 to vector<16xi32>
            %mul3A_293 = arith.muli %broadcast_in_dim3A_287, %mul3A_292 : vector<16xi32>
            %gather3A_294 = tpu.vector_load_idx %arg9[%mul3A_293, %and3A_213] : memref<64x512xf32, #tpu.memory_space<vmem>>[vector<16xi32>, vector<16xi32>], vector<16xf32>,
            tpu.vector_store_idx %arg10[%iota3A, %mul3A_293], %gather3A_294 : memref<16x128xf32, #tpu.memory_space<vmem>>[vector<16xi32>, vector<16xi32>], vector<16xf32>,
            %broadcast_in_dim3A_295 = arith.constant 1 : i32
            %broadcast_in_dim3A_296 = vector.broadcast %broadcast_in_dim3A_295 : i32 to vector<16xi32>
            %mul3A_297 = arith.constant 16 : i32
            %mul3A_298 = arith.muli %scan3A_223, %mul3A_297 : i32
            %add3A_299 = arith.constant 8 : i32
            %add3A_300 = arith.addi %mul3A_298, %add3A_299 : i32
            %mul3A_301 = vector.broadcast %add3A_300 : i32 to vector<16xi32>
            %mul3A_302 = arith.muli %broadcast_in_dim3A_296, %mul3A_301 : vector<16xi32>
            %gather3A_303 = tpu.vector_load_idx %arg9[%mul3A_302, %and3A_213] : memref<64x512xf32, #tpu.memory_space<vmem>>[vector<16xi32>, vector<16xi32>], vector<16xf32>,
            tpu.vector_store_idx %arg10[%iota3A, %mul3A_302], %gather3A_303 : memref<16x128xf32, #tpu.memory_space<vmem>>[vector<16xi32>, vector<16xi32>], vector<16xf32>,
            %broadcast_in_dim3A_304 = arith.constant 1 : i32
            %broadcast_in_dim3A_305 = vector.broadcast %broadcast_in_dim3A_304 : i32 to vector<16xi32>
            %mul3A_306 = arith.constant 16 : i32
            %mul3A_307 = arith.muli %scan3A_223, %mul3A_306 : i32
            %add3A_308 = arith.constant 9 : i32
            %add3A_309 = arith.addi %mul3A_307, %add3A_308 : i32
            %mul3A_310 = vector.broadcast %add3A_309 : i32 to vector<16xi32>
            %mul3A_311 = arith.muli %broadcast_in_dim3A_305, %mul3A_310 : vector<16xi32>
            %gather3A_312 = tpu.vector_load_idx %arg9[%mul3A_311, %and3A_213] : memref<64x512xf32, #tpu.memory_space<vmem>>[vector<16xi32>, vector<16xi32>], vector<16xf32>,
            tpu.vector_store_idx %arg10[%iota3A, %mul3A_311], %gather3A_312 : memref<16x128xf32, #tpu.memory_space<vmem>>[vector<16xi32>, vector<16xi32>], vector<16xf32>,
            %broadcast_in_dim3A_313 = arith.constant 1 : i32
            %broadcast_in_dim3A_314 = vector.broadcast %broadcast_in_dim3A_313 : i32 to vector<16xi32>
            %mul3A_315 = arith.constant 16 : i32
            %mul3A_316 = arith.muli %scan3A_223, %mul3A_315 : i32
            %add3A_317 = arith.constant 10 : i32
            %add3A_318 = arith.addi %mul3A_316, %add3A_317 : i32
            %mul3A_319 = vector.broadcast %add3A_318 : i32 to vector<16xi32>
            %mul3A_320 = arith.muli %broadcast_in_dim3A_314, %mul3A_319 : vector<16xi32>
            %gather3A_321 = tpu.vector_load_idx %arg9[%mul3A_320, %and3A_213] : memref<64x512xf32, #tpu.memory_space<vmem>>[vector<16xi32>, vector<16xi32>], vector<16xf32>,
            tpu.vector_store_idx %arg10[%iota3A, %mul3A_320], %gather3A_321 : memref<16x128xf32, #tpu.memory_space<vmem>>[vector<16xi32>, vector<16xi32>], vector<16xf32>,
            %broadcast_in_dim3A_322 = arith.constant 1 : i32
            %broadcast_in_dim3A_323 = vector.broadcast %broadcast_in_dim3A_322 : i32 to vector<16xi32>
            %mul3A_324 = arith.constant 16 : i32
            %mul3A_325 = arith.muli %scan3A_223, %mul3A_324 : i32
            %add3A_326 = arith.constant 11 : i32
            %add3A_327 = arith.addi %mul3A_325, %add3A_326 : i32
            %mul3A_328 = vector.broadcast %add3A_327 : i32 to vector<16xi32>
            %mul3A_329 = arith.muli %broadcast_in_dim3A_323, %mul3A_328 : vector<16xi32>
            %gather3A_330 = tpu.vector_load_idx %arg9[%mul3A_329, %and3A_213] : memref<64x512xf32, #tpu.memory_space<vmem>>[vector<16xi32>, vector<16xi32>], vector<16xf32>,
            tpu.vector_store_idx %arg10[%iota3A, %mul3A_329], %gather3A_330 : memref<16x128xf32, #tpu.memory_space<vmem>>[vector<16xi32>, vector<16xi32>], vector<16xf32>,
            %broadcast_in_dim3A_331 = arith.constant 1 : i32
            %broadcast_in_dim3A_332 = vector.broadcast %broadcast_in_dim3A_331 : i32 to vector<16xi32>
            %mul3A_333 = arith.constant 16 : i32
            %mul3A_334 = arith.muli %scan3A_223, %mul3A_333 : i32
            %add3A_335 = arith.constant 12 : i32
            %add3A_336 = arith.addi %mul3A_334, %add3A_335 : i32
            %mul3A_337 = vector.broadcast %add3A_336 : i32 to vector<16xi32>
            %mul3A_338 = arith.muli %broadcast_in_dim3A_332, %mul3A_337 : vector<16xi32>
            %gather3A_339 = tpu.vector_load_idx %arg9[%mul3A_338, %and3A_213] : memref<64x512xf32, #tpu.memory_space<vmem>>[vector<16xi32>, vector<16xi32>], vector<16xf32>,
            tpu.vector_store_idx %arg10[%iota3A, %mul3A_338], %gather3A_339 : memref<16x128xf32, #tpu.memory_space<vmem>>[vector<16xi32>, vector<16xi32>], vector<16xf32>,
            %broadcast_in_dim3A_340 = arith.constant 1 : i32
            %broadcast_in_dim3A_341 = vector.broadcast %broadcast_in_dim3A_340 : i32 to vector<16xi32>
            %mul3A_342 = arith.constant 16 : i32
            %mul3A_343 = arith.muli %scan3A_223, %mul3A_342 : i32
            %add3A_344 = arith.constant 13 : i32
            %add3A_345 = arith.addi %mul3A_343, %add3A_344 : i32
            %mul3A_346 = vector.broadcast %add3A_345 : i32 to vector<16xi32>
            %mul3A_347 = arith.muli %broadcast_in_dim3A_341, %mul3A_346 : vector<16xi32>
            %gather3A_348 = tpu.vector_load_idx %arg9[%mul3A_347, %and3A_213] : memref<64x512xf32, #tpu.memory_space<vmem>>[vector<16xi32>, vector<16xi32>], vector<16xf32>,
            tpu.vector_store_idx %arg10[%iota3A, %mul3A_347], %gather3A_348 : memref<16x128xf32, #tpu.memory_space<vmem>>[vector<16xi32>, vector<16xi32>], vector<16xf32>,
            %broadcast_in_dim3A_349 = arith.constant 1 : i32
            %broadcast_in_dim3A_350 = vector.broadcast %broadcast_in_dim3A_349 : i32 to vector<16xi32>
            %mul3A_351 = arith.constant 16 : i32
            %mul3A_352 = arith.muli %scan3A_223, %mul3A_351 : i32
            %add3A_353 = arith.constant 14 : i32
            %add3A_354 = arith.addi %mul3A_352, %add3A_353 : i32
            %mul3A_355 = vector.broadcast %add3A_354 : i32 to vector<16xi32>
            %mul3A_356 = arith.muli %broadcast_in_dim3A_350, %mul3A_355 : vector<16xi32>
            %gather3A_357 = tpu.vector_load_idx %arg9[%mul3A_356, %and3A_213] : memref<64x512xf32, #tpu.memory_space<vmem>>[vector<16xi32>, vector<16xi32>], vector<16xf32>,
            tpu.vector_store_idx %arg10[%iota3A, %mul3A_356], %gather3A_357 : memref<16x128xf32, #tpu.memory_space<vmem>>[vector<16xi32>, vector<16xi32>], vector<16xf32>,
            %broadcast_in_dim3A_358 = arith.constant 1 : i32
            %broadcast_in_dim3A_359 = vector.broadcast %broadcast_in_dim3A_358 : i32 to vector<16xi32>
            %mul3A_360 = arith.constant 16 : i32
            %mul3A_361 = arith.muli %scan3A_223, %mul3A_360 : i32
            %add3A_362 = arith.constant 15 : i32
            %add3A_363 = arith.addi %mul3A_361, %add3A_362 : i32
            %mul3A_364 = vector.broadcast %add3A_363 : i32 to vector<16xi32>
            %mul3A_365 = arith.muli %broadcast_in_dim3A_359, %mul3A_364 : vector<16xi32>
            %gather3A_366 = tpu.vector_load_idx %arg9[%mul3A_365, %and3A_213] : memref<64x512xf32, #tpu.memory_space<vmem>>[vector<16xi32>, vector<16xi32>], vector<16xf32>,
            tpu.vector_store_idx %arg10[%iota3A, %mul3A_365], %gather3A_366 : memref<16x128xf32, #tpu.memory_space<vmem>>[vector<16xi32>, vector<16xi32>], vector<16xf32>,
          }
          %scan3A_222 = arith.constant 4 : i32
          "tpu.region"() ({
            %run_scoped3A = tpu.sem_alloc : memref<!tpu.dma_semaphore, #tpu.memory_space<semaphore_mem>>
            %dma_start3A = arith.constant 0 : i32
            %dma_start3A_223 = arith.constant 0 : i32
            %dma_start3A_224 = tpu.memref_slice %arg4[%dma_start3A, %dma_start3A_223] : memref<4112x128xf32, #tpu.memory_space<hbm>> -> memref<4112x128xf32, #tpu.memory_space<hbm>>
            tpu.enqueue_indirect_dma source(%arg10 : memref<16x128xf32, #tpu.memory_space<vmem>>) target(%dma_start3A_224 : memref<4112x128xf32, #tpu.memory_space<hbm>>) offsets(%and3A_216 : vector<16xi32>) semaphore(%run_scoped3A : memref<!tpu.dma_semaphore, #tpu.memory_space<semaphore_mem>>)
            %dma_wait3A = arith.constant 0 : i32
            %dma_wait3A_225 = arith.constant 0 : i32
            %dma_wait3A_226 = tpu.memref_slice %arg4[%dma_wait3A, %dma_wait3A_225] : memref<4112x128xf32, #tpu.memory_space<hbm>> -> memref<4112x128xf32, #tpu.memory_space<hbm>>
            tpu.wait_indirect_dma semaphore(%run_scoped3A : memref<!tpu.dma_semaphore, #tpu.memory_space<semaphore_mem>>) src(%arg10 : memref<16x128xf32, #tpu.memory_space<vmem>>) dst(%dma_wait3A_226 : memref<4112x128xf32, #tpu.memory_space<hbm>>)
            tpu.yield
          }) : () -> ()
        }
        %while3A_204 = arith.constant 1 : i32
        scf.for %while3A_205 = %while3A_202 to %while3A_198 step %while3A_204  : i32 {
          %mul3A_206 = arith.constant 16 : i32
          %mul3A_207 = arith.muli %while3A_205, %mul3A_206 : i32
          %get3A = arith.index_cast %mul3A_207 : i32 to index
          %get3A_208 = tpu.vector_load %arg7[%get3A] {strides = array<i32>} : memref<4112xi32, #tpu.memory_space<vmem>>, vector<16xi32>,
          %shift_right_arithmetic3A = arith.constant 13 : i32
          %shift_right_arithmetic3A_209 = vector.broadcast %shift_right_arithmetic3A : i32 to vector<16xi32>
          %shift_right_arithmetic3A_210 = arith.shrsi %get3A_208, %shift_right_arithmetic3A_209 : vector<16xi32>
          %and3A_211 = arith.constant 511 : i32
          %and3A_212 = vector.broadcast %and3A_211 : i32 to vector<16xi32>
          %and3A_213 = arith.andi %shift_right_arithmetic3A_210, %and3A_212 : vector<16xi32>
          %and3A_214 = arith.constant 8191 : i32
          %and3A_215 = vector.broadcast %and3A_214 : i32 to vector<16xi32>
          %and3A_216 = arith.andi %get3A_208, %and3A_215 : vector<16xi32>
          %scan3A_217 = arith.constant 0 : i32
          %scan3A_218 = arith.constant 0 : i32
          %scan3A_219 = arith.constant 4 : i32
          %scan3A_220 = arith.addi %scan3A_218, %scan3A_219 : i32
          %scan3A_221 = arith.constant 1 : i32
          scf.for %scan3A_223 = %scan3A_218 to %scan3A_220 step %scan3A_221  : i32 {
            %broadcast_in_dim3A_224 = arith.constant 1 : i32
            %broadcast_in_dim3A_225 = vector.broadcast %broadcast_in_dim3A_224 : i32 to vector<16xi32>
            %mul3A_226 = arith.constant 16 : i32
            %mul3A_227 = arith.muli %scan3A_223, %mul3A_226 : i32
            %add3A_228 = arith.constant 0 : i32
            %add3A_229 = arith.addi %mul3A_227, %add3A_228 : i32
            %mul3A_230 = vector.broadcast %add3A_229 : i32 to vector<16xi32>
            %mul3A_231 = arith.muli %broadcast_in_dim3A_225, %mul3A_230 : vector<16xi32>
            %gather3A = tpu.vector_load_idx %arg9[%mul3A_231, %and3A_213] : memref<64x512xf32, #tpu.memory_space<vmem>>[vector<16xi32>, vector<16xi32>], vector<16xf32>,
            tpu.vector_store_idx %arg10[%iota3A, %mul3A_231], %gather3A : memref<16x128xf32, #tpu.memory_space<vmem>>[vector<16xi32>, vector<16xi32>], vector<16xf32>,
            %broadcast_in_dim3A_232 = arith.constant 1 : i32
            %broadcast_in_dim3A_233 = vector.broadcast %broadcast_in_dim3A_232 : i32 to vector<16xi32>
            %mul3A_234 = arith.constant 16 : i32
            %mul3A_235 = arith.muli %scan3A_223, %mul3A_234 : i32
            %add3A_236 = arith.constant 1 : i32
            %add3A_237 = arith.addi %mul3A_235, %add3A_236 : i32
            %mul3A_238 = vector.broadcast %add3A_237 : i32 to vector<16xi32>
            %mul3A_239 = arith.muli %broadcast_in_dim3A_233, %mul3A_238 : vector<16xi32>
            %gather3A_240 = tpu.vector_load_idx %arg9[%mul3A_239, %and3A_213] : memref<64x512xf32, #tpu.memory_space<vmem>>[vector<16xi32>, vector<16xi32>], vector<16xf32>,
            tpu.vector_store_idx %arg10[%iota3A, %mul3A_239], %gather3A_240 : memref<16x128xf32, #tpu.memory_space<vmem>>[vector<16xi32>, vector<16xi32>], vector<16xf32>,
            %broadcast_in_dim3A_241 = arith.constant 1 : i32
            %broadcast_in_dim3A_242 = vector.broadcast %broadcast_in_dim3A_241 : i32 to vector<16xi32>
            %mul3A_243 = arith.constant 16 : i32
            %mul3A_244 = arith.muli %scan3A_223, %mul3A_243 : i32
            %add3A_245 = arith.constant 2 : i32
            %add3A_246 = arith.addi %mul3A_244, %add3A_245 : i32
            %mul3A_247 = vector.broadcast %add3A_246 : i32 to vector<16xi32>
            %mul3A_248 = arith.muli %broadcast_in_dim3A_242, %mul3A_247 : vector<16xi32>
            %gather3A_249 = tpu.vector_load_idx %arg9[%mul3A_248, %and3A_213] : memref<64x512xf32, #tpu.memory_space<vmem>>[vector<16xi32>, vector<16xi32>], vector<16xf32>,
            tpu.vector_store_idx %arg10[%iota3A, %mul3A_248], %gather3A_249 : memref<16x128xf32, #tpu.memory_space<vmem>>[vector<16xi32>, vector<16xi32>], vector<16xf32>,
            %broadcast_in_dim3A_250 = arith.constant 1 : i32
            %broadcast_in_dim3A_251 = vector.broadcast %broadcast_in_dim3A_250 : i32 to vector<16xi32>
            %mul3A_252 = arith.constant 16 : i32
            %mul3A_253 = arith.muli %scan3A_223, %mul3A_252 : i32
            %add3A_254 = arith.constant 3 : i32
            %add3A_255 = arith.addi %mul3A_253, %add3A_254 : i32
            %mul3A_256 = vector.broadcast %add3A_255 : i32 to vector<16xi32>
            %mul3A_257 = arith.muli %broadcast_in_dim3A_251, %mul3A_256 : vector<16xi32>
            %gather3A_258 = tpu.vector_load_idx %arg9[%mul3A_257, %and3A_213] : memref<64x512xf32, #tpu.memory_space<vmem>>[vector<16xi32>, vector<16xi32>], vector<16xf32>,
            tpu.vector_store_idx %arg10[%iota3A, %mul3A_257], %gather3A_258 : memref<16x128xf32, #tpu.memory_space<vmem>>[vector<16xi32>, vector<16xi32>], vector<16xf32>,
            %broadcast_in_dim3A_259 = arith.constant 1 : i32
            %broadcast_in_dim3A_260 = vector.broadcast %broadcast_in_dim3A_259 : i32 to vector<16xi32>
            %mul3A_261 = arith.constant 16 : i32
            %mul3A_262 = arith.muli %scan3A_223, %mul3A_261 : i32
            %add3A_263 = arith.constant 4 : i32
            %add3A_264 = arith.addi %mul3A_262, %add3A_263 : i32
            %mul3A_265 = vector.broadcast %add3A_264 : i32 to vector<16xi32>
            %mul3A_266 = arith.muli %broadcast_in_dim3A_260, %mul3A_265 : vector<16xi32>
            %gather3A_267 = tpu.vector_load_idx %arg9[%mul3A_266, %and3A_213] : memref<64x512xf32, #tpu.memory_space<vmem>>[vector<16xi32>, vector<16xi32>], vector<16xf32>,
            tpu.vector_store_idx %arg10[%iota3A, %mul3A_266], %gather3A_267 : memref<16x128xf32, #tpu.memory_space<vmem>>[vector<16xi32>, vector<16xi32>], vector<16xf32>,
            %broadcast_in_dim3A_268 = arith.constant 1 : i32
            %broadcast_in_dim3A_269 = vector.broadcast %broadcast_in_dim3A_268 : i32 to vector<16xi32>
            %mul3A_270 = arith.constant 16 : i32
            %mul3A_271 = arith.muli %scan3A_223, %mul3A_270 : i32
            %add3A_272 = arith.constant 5 : i32
            %add3A_273 = arith.addi %mul3A_271, %add3A_272 : i32
            %mul3A_274 = vector.broadcast %add3A_273 : i32 to vector<16xi32>
            %mul3A_275 = arith.muli %broadcast_in_dim3A_269, %mul3A_274 : vector<16xi32>
            %gather3A_276 = tpu.vector_load_idx %arg9[%mul3A_275, %and3A_213] : memref<64x512xf32, #tpu.memory_space<vmem>>[vector<16xi32>, vector<16xi32>], vector<16xf32>,
            tpu.vector_store_idx %arg10[%iota3A, %mul3A_275], %gather3A_276 : memref<16x128xf32, #tpu.memory_space<vmem>>[vector<16xi32>, vector<16xi32>], vector<16xf32>,
            %broadcast_in_dim3A_277 = arith.constant 1 : i32
            %broadcast_in_dim3A_278 = vector.broadcast %broadcast_in_dim3A_277 : i32 to vector<16xi32>
            %mul3A_279 = arith.constant 16 : i32
            %mul3A_280 = arith.muli %scan3A_223, %mul3A_279 : i32
            %add3A_281 = arith.constant 6 : i32
            %add3A_282 = arith.addi %mul3A_280, %add3A_281 : i32
            %mul3A_283 = vector.broadcast %add3A_282 : i32 to vector<16xi32>
            %mul3A_284 = arith.muli %broadcast_in_dim3A_278, %mul3A_283 : vector<16xi32>
            %gather3A_285 = tpu.vector_load_idx %arg9[%mul3A_284, %and3A_213] : memref<64x512xf32, #tpu.memory_space<vmem>>[vector<16xi32>, vector<16xi32>], vector<16xf32>,
            tpu.vector_store_idx %arg10[%iota3A, %mul3A_284], %gather3A_285 : memref<16x128xf32, #tpu.memory_space<vmem>>[vector<16xi32>, vector<16xi32>], vector<16xf32>,
            %broadcast_in_dim3A_286 = arith.constant 1 : i32
            %broadcast_in_dim3A_287 = vector.broadcast %broadcast_in_dim3A_286 : i32 to vector<16xi32>
            %mul3A_288 = arith.constant 16 : i32
            %mul3A_289 = arith.muli %scan3A_223, %mul3A_288 : i32
            %add3A_290 = arith.constant 7 : i32
            %add3A_291 = arith.addi %mul3A_289, %add3A_290 : i32
            %mul3A_292 = vector.broadcast %add3A_291 : i32 to vector<16xi32>
            %mul3A_293 = arith.muli %broadcast_in_dim3A_287, %mul3A_292 : vector<16xi32>
            %gather3A_294 = tpu.vector_load_idx %arg9[%mul3A_293, %and3A_213] : memref<64x512xf32, #tpu.memory_space<vmem>>[vector<16xi32>, vector<16xi32>], vector<16xf32>,
            tpu.vector_store_idx %arg10[%iota3A, %mul3A_293], %gather3A_294 : memref<16x128xf32, #tpu.memory_space<vmem>>[vector<16xi32>, vector<16xi32>], vector<16xf32>,
            %broadcast_in_dim3A_295 = arith.constant 1 : i32
            %broadcast_in_dim3A_296 = vector.broadcast %broadcast_in_dim3A_295 : i32 to vector<16xi32>
            %mul3A_297 = arith.constant 16 : i32
            %mul3A_298 = arith.muli %scan3A_223, %mul3A_297 : i32
            %add3A_299 = arith.constant 8 : i32
            %add3A_300 = arith.addi %mul3A_298, %add3A_299 : i32
            %mul3A_301 = vector.broadcast %add3A_300 : i32 to vector<16xi32>
            %mul3A_302 = arith.muli %broadcast_in_dim3A_296, %mul3A_301 : vector<16xi32>
            %gather3A_303 = tpu.vector_load_idx %arg9[%mul3A_302, %and3A_213] : memref<64x512xf32, #tpu.memory_space<vmem>>[vector<16xi32>, vector<16xi32>], vector<16xf32>,
            tpu.vector_store_idx %arg10[%iota3A, %mul3A_302], %gather3A_303 : memref<16x128xf32, #tpu.memory_space<vmem>>[vector<16xi32>, vector<16xi32>], vector<16xf32>,
            %broadcast_in_dim3A_304 = arith.constant 1 : i32
            %broadcast_in_dim3A_305 = vector.broadcast %broadcast_in_dim3A_304 : i32 to vector<16xi32>
            %mul3A_306 = arith.constant 16 : i32
            %mul3A_307 = arith.muli %scan3A_223, %mul3A_306 : i32
            %add3A_308 = arith.constant 9 : i32
            %add3A_309 = arith.addi %mul3A_307, %add3A_308 : i32
            %mul3A_310 = vector.broadcast %add3A_309 : i32 to vector<16xi32>
            %mul3A_311 = arith.muli %broadcast_in_dim3A_305, %mul3A_310 : vector<16xi32>
            %gather3A_312 = tpu.vector_load_idx %arg9[%mul3A_311, %and3A_213] : memref<64x512xf32, #tpu.memory_space<vmem>>[vector<16xi32>, vector<16xi32>], vector<16xf32>,
            tpu.vector_store_idx %arg10[%iota3A, %mul3A_311], %gather3A_312 : memref<16x128xf32, #tpu.memory_space<vmem>>[vector<16xi32>, vector<16xi32>], vector<16xf32>,
            %broadcast_in_dim3A_313 = arith.constant 1 : i32
            %broadcast_in_dim3A_314 = vector.broadcast %broadcast_in_dim3A_313 : i32 to vector<16xi32>
            %mul3A_315 = arith.constant 16 : i32
            %mul3A_316 = arith.muli %scan3A_223, %mul3A_315 : i32
            %add3A_317 = arith.constant 10 : i32
            %add3A_318 = arith.addi %mul3A_316, %add3A_317 : i32
            %mul3A_319 = vector.broadcast %add3A_318 : i32 to vector<16xi32>
            %mul3A_320 = arith.muli %broadcast_in_dim3A_314, %mul3A_319 : vector<16xi32>
            %gather3A_321 = tpu.vector_load_idx %arg9[%mul3A_320, %and3A_213] : memref<64x512xf32, #tpu.memory_space<vmem>>[vector<16xi32>, vector<16xi32>], vector<16xf32>,
            tpu.vector_store_idx %arg10[%iota3A, %mul3A_320], %gather3A_321 : memref<16x128xf32, #tpu.memory_space<vmem>>[vector<16xi32>, vector<16xi32>], vector<16xf32>,
            %broadcast_in_dim3A_322 = arith.constant 1 : i32
            %broadcast_in_dim3A_323 = vector.broadcast %broadcast_in_dim3A_322 : i32 to vector<16xi32>
            %mul3A_324 = arith.constant 16 : i32
            %mul3A_325 = arith.muli %scan3A_223, %mul3A_324 : i32
            %add3A_326 = arith.constant 11 : i32
            %add3A_327 = arith.addi %mul3A_325, %add3A_326 : i32
            %mul3A_328 = vector.broadcast %add3A_327 : i32 to vector<16xi32>
            %mul3A_329 = arith.muli %broadcast_in_dim3A_323, %mul3A_328 : vector<16xi32>
            %gather3A_330 = tpu.vector_load_idx %arg9[%mul3A_329, %and3A_213] : memref<64x512xf32, #tpu.memory_space<vmem>>[vector<16xi32>, vector<16xi32>], vector<16xf32>,
            tpu.vector_store_idx %arg10[%iota3A, %mul3A_329], %gather3A_330 : memref<16x128xf32, #tpu.memory_space<vmem>>[vector<16xi32>, vector<16xi32>], vector<16xf32>,
            %broadcast_in_dim3A_331 = arith.constant 1 : i32
            %broadcast_in_dim3A_332 = vector.broadcast %broadcast_in_dim3A_331 : i32 to vector<16xi32>
            %mul3A_333 = arith.constant 16 : i32
            %mul3A_334 = arith.muli %scan3A_223, %mul3A_333 : i32
            %add3A_335 = arith.constant 12 : i32
            %add3A_336 = arith.addi %mul3A_334, %add3A_335 : i32
            %mul3A_337 = vector.broadcast %add3A_336 : i32 to vector<16xi32>
            %mul3A_338 = arith.muli %broadcast_in_dim3A_332, %mul3A_337 : vector<16xi32>
            %gather3A_339 = tpu.vector_load_idx %arg9[%mul3A_338, %and3A_213] : memref<64x512xf32, #tpu.memory_space<vmem>>[vector<16xi32>, vector<16xi32>], vector<16xf32>,
            tpu.vector_store_idx %arg10[%iota3A, %mul3A_338], %gather3A_339 : memref<16x128xf32, #tpu.memory_space<vmem>>[vector<16xi32>, vector<16xi32>], vector<16xf32>,
            %broadcast_in_dim3A_340 = arith.constant 1 : i32
            %broadcast_in_dim3A_341 = vector.broadcast %broadcast_in_dim3A_340 : i32 to vector<16xi32>
            %mul3A_342 = arith.constant 16 : i32
            %mul3A_343 = arith.muli %scan3A_223, %mul3A_342 : i32
            %add3A_344 = arith.constant 13 : i32
            %add3A_345 = arith.addi %mul3A_343, %add3A_344 : i32
            %mul3A_346 = vector.broadcast %add3A_345 : i32 to vector<16xi32>
            %mul3A_347 = arith.muli %broadcast_in_dim3A_341, %mul3A_346 : vector<16xi32>
            %gather3A_348 = tpu.vector_load_idx %arg9[%mul3A_347, %and3A_213] : memref<64x512xf32, #tpu.memory_space<vmem>>[vector<16xi32>, vector<16xi32>], vector<16xf32>,
            tpu.vector_store_idx %arg10[%iota3A, %mul3A_347], %gather3A_348 : memref<16x128xf32, #tpu.memory_space<vmem>>[vector<16xi32>, vector<16xi32>], vector<16xf32>,
            %broadcast_in_dim3A_349 = arith.constant 1 : i32
            %broadcast_in_dim3A_350 = vector.broadcast %broadcast_in_dim3A_349 : i32 to vector<16xi32>
            %mul3A_351 = arith.constant 16 : i32
            %mul3A_352 = arith.muli %scan3A_223, %mul3A_351 : i32
            %add3A_353 = arith.constant 14 : i32
            %add3A_354 = arith.addi %mul3A_352, %add3A_353 : i32
            %mul3A_355 = vector.broadcast %add3A_354 : i32 to vector<16xi32>
            %mul3A_356 = arith.muli %broadcast_in_dim3A_350, %mul3A_355 : vector<16xi32>
            %gather3A_357 = tpu.vector_load_idx %arg9[%mul3A_356, %and3A_213] : memref<64x512xf32, #tpu.memory_space<vmem>>[vector<16xi32>, vector<16xi32>], vector<16xf32>,
            tpu.vector_store_idx %arg10[%iota3A, %mul3A_356], %gather3A_357 : memref<16x128xf32, #tpu.memory_space<vmem>>[vector<16xi32>, vector<16xi32>], vector<16xf32>,
            %broadcast_in_dim3A_358 = arith.constant 1 : i32
            %broadcast_in_dim3A_359 = vector.broadcast %broadcast_in_dim3A_358 : i32 to vector<16xi32>
            %mul3A_360 = arith.constant 16 : i32
            %mul3A_361 = arith.muli %scan3A_223, %mul3A_360 : i32
            %add3A_362 = arith.constant 15 : i32
            %add3A_363 = arith.addi %mul3A_361, %add3A_362 : i32
            %mul3A_364 = vector.broadcast %add3A_363 : i32 to vector<16xi32>
            %mul3A_365 = arith.muli %broadcast_in_dim3A_359, %mul3A_364 : vector<16xi32>
            %gather3A_366 = tpu.vector_load_idx %arg9[%mul3A_365, %and3A_213] : memref<64x512xf32, #tpu.memory_space<vmem>>[vector<16xi32>, vector<16xi32>], vector<16xf32>,
            tpu.vector_store_idx %arg10[%iota3A, %mul3A_365], %gather3A_366 : memref<16x128xf32, #tpu.memory_space<vmem>>[vector<16xi32>, vector<16xi32>], vector<16xf32>,
          }
          %scan3A_222 = arith.constant 4 : i32
          "tpu.region"() ({
            %run_scoped3A = tpu.sem_alloc : memref<!tpu.dma_semaphore, #tpu.memory_space<semaphore_mem>>
            %dma_start3A = arith.constant 0 : i32
            %dma_start3A_223 = arith.constant 0 : i32
            %dma_start3A_224 = tpu.memref_slice %arg4[%dma_start3A, %dma_start3A_223] : memref<4112x128xf32, #tpu.memory_space<hbm>> -> memref<4112x128xf32, #tpu.memory_space<hbm>>
            tpu.enqueue_indirect_dma source(%arg10 : memref<16x128xf32, #tpu.memory_space<vmem>>) target(%dma_start3A_224 : memref<4112x128xf32, #tpu.memory_space<hbm>>) offsets(%and3A_216 : vector<16xi32>) semaphore(%run_scoped3A : memref<!tpu.dma_semaphore, #tpu.memory_space<semaphore_mem>>)
            %dma_wait3A = arith.constant 0 : i32
            %dma_wait3A_225 = arith.constant 0 : i32
            %dma_wait3A_226 = tpu.memref_slice %arg4[%dma_wait3A, %dma_wait3A_225] : memref<4112x128xf32, #tpu.memory_space<hbm>> -> memref<4112x128xf32, #tpu.memory_space<hbm>>
            tpu.wait_indirect_dma semaphore(%run_scoped3A : memref<!tpu.dma_semaphore, #tpu.memory_space<semaphore_mem>>) src(%arg10 : memref<16x128xf32, #tpu.memory_space<vmem>>) dst(%dma_wait3A_226 : memref<4112x128xf32, #tpu.memory_space<hbm>>)
            tpu.yield
          }) : () -> ()
        }
      } else {
      }
      %add3A_111 = arith.constant 3 : i32
      %add3A_112 = arith.addi %mul3A_42, %add3A_111 : i32
      %mul3A_113 = arith.constant 32 : i32
      %mul3A_114 = arith.muli %add3A_112, %mul3A_113 : i32
      %add3A_115 = arith.addi %add3A, %mul3A_114 : i32
      %mul3A_116 = arith.constant 512 : i32
      %mul3A_117 = arith.muli %add3A_115, %mul3A_116 : i32
      %multiple_of3A_118 = tpu.assume_multiple %mul3A_117, 512 : i32
      %lt3A_119 = arith.constant 195 : i32
      %lt3A_120 = arith.cmpi slt, %add3A_115, %lt3A_119 : i32
      %convert_element_type3A_121 = arith.extui %lt3A_120 : i1 to i32
      %cond3A_122 = arith.constant 0 : i32
      %cond3A_123 = arith.cmpi ne, %convert_element_type3A_121, %cond3A_122 : i32
      scf.if %cond3A_123 {
        %dma_start3A = arith.constant 0 : i32
        %dma_start3A_129 = tpu.memref_slice %arg2[%dma_start3A, %multiple_of3A_118] : memref<64x100000xf32, #tpu.memory_space<hbm>> -> memref<64x512xf32, #tpu.memory_space<hbm>>
        %dma_start3A_130 = arith.constant 0 : i32
        %dma_start3A_131 = tpu.memref_slice %arg2[%dma_start3A_130, %multiple_of3A_118] : memref<64x100000xf32, #tpu.memory_space<hbm>> -> memref<64x512xf32, #tpu.memory_space<hbm>>
        tpu.enqueue_dma source(%dma_start3A_131 : memref<64x512xf32, #tpu.memory_space<hbm>>) target(%arg9 : memref<64x512xf32, #tpu.memory_space<vmem>>) target_semaphore(%arg12 : memref<!tpu.dma_semaphore, #tpu.memory_space<semaphore_mem>>)
      } else {
      }
      %eq3A_124 = arith.constant 195 : i32
      %eq3A_125 = arith.cmpi eq, %add3A_115, %eq3A_124 : i32
      %convert_element_type3A_126 = arith.extui %eq3A_125 : i1 to i32
      %cond3A_127 = arith.constant 0 : i32
      %cond3A_128 = arith.cmpi ne, %convert_element_type3A_126, %cond3A_127 : i32
      scf.if %cond3A_128 {
        %dma_start3A = arith.constant 0 : i32
        %dma_start3A_129 = arith.constant 0 : i32
        %dma_start3A_130 = tpu.memref_slice %arg9[%dma_start3A, %dma_start3A_129] : memref<64x512xf32, #tpu.memory_space<vmem>> -> memref<64x256xf32, #tpu.memory_space<vmem>>
        %dma_start3A_131 = arith.constant 0 : i32
        %dma_start3A_132 = tpu.memref_slice %arg2[%dma_start3A_131, %multiple_of3A_118] : memref<64x100000xf32, #tpu.memory_space<hbm>> -> memref<64x256xf32, #tpu.memory_space<hbm>>
        %dma_start3A_133 = arith.constant 0 : i32
        %dma_start3A_134 = arith.constant 0 : i32
        %dma_start3A_135 = tpu.memref_slice %arg9[%dma_start3A_133, %dma_start3A_134] : memref<64x512xf32, #tpu.memory_space<vmem>> -> memref<64x256xf32, #tpu.memory_space<vmem>>
        %dma_start3A_136 = arith.constant 0 : i32
        %dma_start3A_137 = tpu.memref_slice %arg2[%dma_start3A_136, %multiple_of3A_118] : memref<64x100000xf32, #tpu.memory_space<hbm>> -> memref<64x256xf32, #tpu.memory_space<hbm>>
        tpu.enqueue_dma source(%dma_start3A_137 : memref<64x256xf32, #tpu.memory_space<hbm>>) target(%dma_start3A_135 : memref<64x256xf32, #tpu.memory_space<vmem>>) target_semaphore(%arg12 : memref<!tpu.dma_semaphore, #tpu.memory_space<semaphore_mem>>)
      } else {
      }
    }
    %scan3A_39 = arith.constant 4 : i32
    return
  }
}

module attributes {stable_mosaic.version = 14 : i64} {
  func.func @_proj_body(%arg0: i32, %arg1: memref<20x64x1024xf32, #tpu.memory_space<vmem>>, %arg2: memref<20x64x1024xf32, #tpu.memory_space<vmem>>, %arg3: memref<1024x128xf32, #tpu.memory_space<vmem>>, %arg4: memref<20x64x1024xf32, #tpu.memory_space<vmem>>) attributes {dimension_semantics = [#tpu.dimension_semantics<arbitrary>], iteration_bounds = array<i64: 4>, scalar_prefetch = 0 : i64, scratch_operands = 0 : i64, tpu.core_type = #tpu.core_type<tc>, window_params = [{transform_indices = @transform_0, window_bounds = array<i64: 20, 64, 1024>}, {transform_indices = @transform_1, window_bounds = array<i64: 20, 64, 1024>}, {transform_indices = @transform_2, window_bounds = array<i64: 1024, 128>}, {transform_indices = @transform_3, window_bounds = array<i64: 20, 64, 1024>}]} {
    %get3A = arith.constant 0 : index
    %get3A_0 = arith.constant 0 : index
    %get3A_1 = vector.load %arg3[%get3A, %get3A_0] : memref<1024x128xf32, #tpu.memory_space<vmem>>, vector<1024x128xf32>
    %slice3A = vector.extract_strided_slice %get3A_1 {offsets = [0, 0], sizes = [1024, 64], strides = [1, 1]} : vector<1024x128xf32> to vector<1024x64xf32>
    %transpose3A = tpu.transpose %slice3A, [1, 0] : vector<1024x64xf32> -> vector<64x1024xf32>
    %broadcast_in_dim3A = vector.shape_cast %transpose3A : vector<64x1024xf32> to vector<1x64x1024xf32>
    %get3A_2 = arith.constant 0 : index
    %get3A_3 = arith.constant 0 : index
    %get3A_4 = arith.constant 0 : index
    %get3A_5 = vector.load %arg2[%get3A_2, %get3A_3, %get3A_4] : memref<20x64x1024xf32, #tpu.memory_space<vmem>>, vector<20x64x1024xf32>
    %mul3A = vector.broadcast %broadcast_in_dim3A : vector<1x64x1024xf32> to vector<20x64x1024xf32>
    %mul3A_6 = arith.mulf %get3A_5, %mul3A : vector<20x64x1024xf32>
    %reduce_sum3A = arith.constant dense<0.000000e+00> : vector<20x1024xf32>
    %reduce_sum3A_7 = vector.multi_reduction <add>, %mul3A_6, %reduce_sum3A [1] : vector<20x64x1024xf32> to vector<20x1024xf32>
    %broadcast_in_dim3A_8 = vector.shape_cast %reduce_sum3A_7 : vector<20x1024xf32> to vector<20x1x1024xf32>
    %mul3A_9 = vector.broadcast %broadcast_in_dim3A_8 : vector<20x1x1024xf32> to vector<20x64x1024xf32>
    %mul3A_10 = vector.broadcast %broadcast_in_dim3A : vector<1x64x1024xf32> to vector<20x64x1024xf32>
    %mul3A_11 = arith.mulf %mul3A_9, %mul3A_10 : vector<20x64x1024xf32>
    %sub3A = arith.subf %get3A_5, %mul3A_11 : vector<20x64x1024xf32>
    %get3A_12 = arith.constant 0 : index
    %get3A_13 = arith.constant 0 : index
    %get3A_14 = arith.constant 0 : index
    %get3A_15 = vector.load %arg1[%get3A_12, %get3A_13, %get3A_14] : memref<20x64x1024xf32, #tpu.memory_space<vmem>>, vector<20x64x1024xf32>
    %sub3A_16 = arith.subf %sub3A, %get3A_15 : vector<20x64x1024xf32>
    %swap3A = arith.constant 0 : index
    %swap3A_17 = arith.constant 0 : index
    %swap3A_18 = arith.constant 0 : index
    %swap3A_19 = vector.load %arg4[%swap3A, %swap3A_17, %swap3A_18] : memref<20x64x1024xf32, #tpu.memory_space<vmem>>, vector<20x64x1024xf32>
    tpu.vector_store %arg4[%swap3A, %swap3A_17, %swap3A_18], %sub3A_16 {strides = array<i32>} : memref<20x64x1024xf32, #tpu.memory_space<vmem>>, vector<20x64x1024xf32>,
    return
  }
  func.func @transform_0(%arg0: i32) -> (i32, i32, i32) {
    %c0_i32 = arith.constant 0 : i32
    %c0_i32_0 = arith.constant 0 : i32
    %c0_i32_1 = arith.constant 0 : i32
    return %c0_i32, %c0_i32_0, %arg0 : i32, i32, i32
  }
  func.func @transform_1(%arg0: i32) -> (i32, i32, i32) {
    %c0_i32 = arith.constant 0 : i32
    %c0_i32_0 = arith.constant 0 : i32
    %c0_i32_1 = arith.constant 0 : i32
    return %c0_i32, %c0_i32_0, %arg0 : i32, i32, i32
  }
  func.func @transform_2(%arg0: i32) -> (i32, i32) {
    %c0_i32 = arith.constant 0 : i32
    %c0_i32_0 = arith.constant 0 : i32
    return %arg0, %c0_i32 : i32, i32
  }
  func.func @transform_3(%arg0: i32) -> (i32, i32, i32) {
    %c0_i32 = arith.constant 0 : i32
    %c0_i32_0 = arith.constant 0 : i32
    %c0_i32_1 = arith.constant 0 : i32
    return %c0_i32, %c0_i32_0, %arg0 : i32, i32, i32
  }
}

</mosaic_0001>

<sc_bundles>
// kernel: kernel.4.cloned.1.call-start
scs
__scs_entry_jumppad:
0x0: {  	(pc) =	sbr.rel $0x88, $3  }
0x1: {  	(tag) =	ssettag $0x0;
	lr =	simm.s32 $0x1  }
0x2: {  	[smem:$0x3F9D] =	sst lr;
	_ =	strace $0xD0000000  }
0x3: {  	_ = 	snop  }
0x4: {  	_ = 	snop  }
0x5: {  	_ = 	snop  }
0x6: {  	_ = 	snop  }
0x7: {  	_ = 	snop  }
__scs_overlays_trampoline_lowered:
0x8: {  	[smem:$0x3FAC] =	sst s0  }
0x9: {  	[smem:$0x3FAD] =	sst s1  }
0xa: {  	[smem:$0x3FAE] =	sst s2  }
0xb: {  	[smem:$0x3FAF] =	sst s3  }
0xc: {  	[smem:$0x3FB0] =	sst s4  }
0xd: {  	[smem:$0x3FB1] =	sst s5  }
0xe: {  	[smem:$0x3FB2] =	sst s6  }
0xf: {  	[smem:$0x3FB3] =	sst s7  }
0x10: {  	[smem:$0x3FB4] =	sst s8  }
0x11: {  	[smem:$0x3FB5] =	sst s9;
	s0 =	simm.s32 @!p0 $0x0  }
0x12: {  	s1 =	sld [smem:$0x3F9B];
	s0 =	simm.s32 @p0 $0x1  }
0x13: {  	[smem:$0x3FB6] =	sst s0;
	s0 =	simm.s32 @!p1 $0x0  }
0x14: {  	s2 =	sld [smem:$0x3F9A];
	s0 =	simm.s32 @p1 $0x1  }
0x15: {  	[smem:$0x3FB7] =	sst s0;
	s0 =	simm.s32 @!p2 $0x0  }
0x16: {  	s3 =	sld [smem:$0x3FDB];
	s0 =	simm.s32 @p2 $0x1  }
0x17: {  	s4 =	simm.s32 $0x1BF5;
	[smem:$0x3FB9] =	sst s0  }
0x18: {  	s0 =	sld [smem:$0x3F9C];
	_ =	swait.ge [sflag:s4], $0x0  }
0x19: {  	s7 =	sld [smem:$0x3F9D]  }
0x1a: {  	s8 =	sadd.s32 $0xFFFFE003, lr  }
0x1b: {  	s9 =	sadd.s32 $0xFFFFFEF7, lr;
	s5 =	simm.s32 $0xFFFFFFFF;
	p2 =	slt.u32 s8, $0xFFFFF086  }
0x1c: {  	p1 =	slt.u32 s9, $0xF7A;
	s5 =	simm.s32 @!p2 $0x0  }
0x1d: {  	s5 =	simm.s32 @p1 $0x1;
	p0 =	seq.s32 s7, s2  }
0x1e: {  	s7 =	smul.u32 @!p0 $0xF7A, s2;
	p2 =	seq.s32 @!p0 s5, $0x0  }
0x1f: {  	s9 =	smul.u32 $0xF7A, s1;
	s8 =	simm.s32 @!p0 $0x1BF5;
	p2 =	por !p2, p0  }
0x20: {  	[sflag:s8] =	ssyncset.s32 @!p0 $0xFFFFF086;
	s6 =	sadd.s32 @!p0 s3, s7;
	s7 =	simm.s32 @!p0 $0x108  }
0x21: {  	s3 =	sadd.s32 s3, s9;
	s6 =	sadd.s32 @!p0 $0x88, s6;
	s7 =	simm.s32 @p2 $0x1082  }
0x22: {  	[simem:s7], [sflag:s8] =	dma.local @!p0 [hbm:s6], $0xF7A  }
0x23: {  	s9 =	sor.u32 $0xD0000000, s2;
	s6 =	simm.s32 $0x108;
	_ =	swait.ge @!p0 [sflag:s8], $0x0  }
0x24: {  	s3 =	sadd.s32 $0x88, s3;
	s6 =	simm.s32 @!p1 $0x1082;
	[sflag:s4] =	ssyncset.s32 $0xFFFFF086  }
0x25: {  	[simem:s6], [sflag:s4] =	dma.local [hbm:s3], $0xF7A  }
0x26: {  	[smem:$0x3F9D] =	sst s1;
	(tag) =	ssettag s2;
	_ =	strace s9  }
0x27: {  	s1 =	sld [smem:$0x3FAD]  }
0x28: {  	s2 =	sld [smem:$0x3FAE]  }
0x29: {  	s4 =	sld [smem:$0x3FB0]  }
0x2a: {  	p0 =	seq.s32 s5, $0x0;
	s5 =	sld [smem:$0x3FB1]  }
0x2b: {  	s6 =	sld [smem:$0x3FB2]  }
0x2c: {  	s7 =	sld [smem:$0x3FB3]  }
0x2d: {  	s3 =	simm.s32 $0x108;
	s8 =	sld [smem:$0x3FB4]  }
0x2e: {  	s3 =	simm.s32 @!p0 $0x1082;
	s9 =	sld [smem:$0x3FB5]  }
0x2f: {  	lr =	sadd.s32 s0, s3;
	s0 =	sld [smem:$0x3FAC]  }
0x30: {  	s3 =	sld [smem:$0x3FAF]  }
0x31: {  	[smem:$0x3FB8] =	sst s10  }
0x32: {  	s10 =	sld [smem:$0x3FB6];
	_ =	sdelay $0x3  }
0x33: {  	p0 =	seq.s32 s10, $0x1;
	s10 =	sld [smem:$0x3FB8];
	_ =	sdelay $0x3  }
0x34: {  	[smem:$0x3FB8] =	sst s10  }
0x35: {  	s10 =	sld [smem:$0x3FB7];
	_ =	sdelay $0x3  }
0x36: {  	p1 =	seq.s32 s10, $0x1;
	s10 =	sld [smem:$0x3FB8];
	_ =	sdelay $0x3  }
0x37: {  	[smem:$0x3FB8] =	sst s10  }
0x38: {  	s10 =	sld [smem:$0x3FB9]  }
0x39: {  	_ = 	snop;
	(pc) =	sbr.ind lr, $3  }
0x3a: {  	_ = 	snop  }
0x3b: {  	_ = 	snop  }
0x3c: {  	p2 =	seq.s32 s10, $0x1;
	s10 =	sld [smem:$0x3FB8]  }
0x3d: {  	_ =	shalt  }
0x3e: {  	_ =	shalt  }
0x3f: {  	_ =	shalt  }
0x40: {  	_ =	shalt  }
0x41: {  	_ =	shalt  }
0x42: {  	_ =	shalt  }
0x43: {  	_ =	shalt  }
0x44: {  	_ =	shalt  }
0x45: {  	_ =	shalt  }
0x46: {  	_ =	shalt  }
0x47: {  	_ =	shalt  }
0x48: {  	_ =	shalt  }
0x49: {  	_ =	shalt  }
0x4a: {  	_ =	shalt  }
0x4b: {  	_ =	shalt  }
0x4c: {  	_ =	shalt  }
0x4d: {  	_ =	shalt  }
0x4e: {  	_ =	shalt  }
0x4f: {  	_ =	shalt  }
0x50: {  	_ =	shalt  }
0x51: {  	_ =	shalt  }
0x52: {  	_ =	shalt  }
0x53: {  	_ =	shalt  }
0x54: {  	_ =	shalt  }
0x55: {  	_ =	shalt  }
0x56: {  	_ =	shalt  }
0x57: {  	_ =	shalt  }
0x58: {  	_ =	shalt  }
0x59: {  	_ =	shalt  }
0x5a: {  	_ =	shalt  }
0x5b: {  	_ =	shalt  }
0x5c: {  	_ =	shalt  }
0x5d: {  	_ =	shalt  }
0x5e: {  	_ =	shalt  }
0x5f: {  	_ =	shalt  }
0x60: {  	_ =	shalt  }
0x61: {  	_ =	shalt  }
0x62: {  	_ =	shalt  }
0x63: {  	_ =	shalt  }
0x64: {  	_ =	shalt  }
0x65: {  	_ =	shalt  }
0x66: {  	_ =	shalt  }
0x67: {  	_ =	shalt  }
0x68: {  	_ =	shalt  }
0x69: {  	_ =	shalt  }
0x6a: {  	_ =	shalt  }
0x6b: {  	_ =	shalt  }
0x6c: {  	_ =	shalt  }
0x6d: {  	_ =	shalt  }
0x6e: {  	_ =	shalt  }
0x6f: {  	_ =	shalt  }
0x70: {  	_ =	shalt  }
0x71: {  	_ =	shalt  }
0x72: {  	_ =	shalt  }
0x73: {  	_ =	shalt  }
0x74: {  	_ =	shalt  }
0x75: {  	_ =	shalt  }
0x76: {  	_ =	shalt  }
0x77: {  	_ =	shalt  }
0x78: {  	_ =	shalt  }
0x79: {  	_ =	shalt  }
0x7a: {  	_ =	shalt  }
0x7b: {  	_ =	shalt  }
0x7c: {  	_ =	shalt  }
0x7d: {  	_ =	shalt  }
0x7e: {  	_ =	shalt  }
0x7f: {  	_ =	shalt  }
0x80: {  	_ =	shalt  }
0x81: {  	_ =	shalt  }
0x82: {  	_ =	shalt  }
0x83: {  	_ =	shalt  }
0x84: {  	_ =	shalt  }
0x85: {  	_ =	shalt  }
0x86: {  	_ =	shalt  }
0x87: {  	_ =	shalt  }
.Lfunc_end0:
.L_simem_size_0:
called_computation_lowered:
.L_overlay_start_0:
0x88: {  	s2 =	sld [smem:$0x3FD9]  }
0x89: {  	s3 =	sld [smem:$0x3FFE];
	_ =	sdelay $0x1  }
0x8a: {  	s1 =	srdreg.scid  }
0x8b: {  	s0 =	sand.u32 $0x1, s1  }
0x8c: {  	s18 =	sshll.u32 s0, $0xA;
	s2 =	sadd.s32 s3, s2  }
0x8d: {  	s2 =	sadd.s32 s2, s18  }
0x8e: {  	[smem:$0x3FC4] =	sst s2  }
0x8f: {  	_ = 	snop  }
0x90: {  	s2 =	sld [smem:$0x3FC7]  }
0x91: {  	s19 =	sld [smem:$0x3FC6]  }
0x92: {  	s4 =	sld [smem:$0x3FD0];
	(tm) =	ssettm $0x1  }
0x93: {  	s5 =	sld [smem:$0x3FFB];
	_ =	sdelay $0x3  }
0x94: {  	_ =	strace s5  }
0x95: {  	s5 =	sld [smem:$0x3FFC];
	_ =	sdelay $0x3  }
0x96: {  	_ =	strace s5  }
0x97: {  	s5 =	sld [smem:$0x3FFD];
	_ =	sdelay $0x3  }
0x98: {  	_ =	strace s5  }
0x99: {  	_ =	strace $0x8FFFFFFF  }
0x9a: {  	s20 =	sld [smem:$0x3FDB];
	_ =	sdelay $0x1  }
0x9b: {  	s6 =	simm.s32 $_scs_section_size  }
0x9c: {  	s7 =	simm.s32 $_size__tile_overlayer_lowered;
	s8 =	simm.s32 $_tile_overlayer_lowered  }
0x9d: {  	s23 =	simm.s32 $0x1BFF;
	s22 =	sshll.u32 s8, $0x1;
	s5 =	sadd.s32 s6, s20  }
0x9e: {  	s9 =	simm.s32 $0x0;
	s21 =	sshll.u32 s7, $0x1;
	s7 =	sadd.s32 s22, s5  }
0x9f: {  	[timem:s9], [sflag:s23] =	dma.local [hbm:s7], s21  }
0xa0: {  	_ =	swait.ge [sflag:s23], s21  }
0xa1: {  	s6 =	ssub.s32 $0x0, s21;
	[sflag:s23] =	ssyncset.done $0x0  }
0xa2: {  	[sflag:s23] =	ssyncadd.s32 s6;
	_ =	sdelay $0x1  }
0xa3: {  	s24 =	simm.s32 $0x1B8B  }
0xa4: {  	_ =	swait.ge [sflag:s24], $0x1  }
0xa5: {  	[sflag:s24] =	ssyncset.done $0x0  }
0xa6: {  	s25 =	simm.s32 $0x1B8E;
	[sflag:s24] =	ssyncadd.s32 $0xFFFFFFFF  }
0xa7: {  	s26 =	simm.s32 $execute0_lowered;
	[smem:$0x3FD2] =	sst s25  }
0xa8: {  	s6 =	sshll.u32 s26, $0x1;
	_ =	strace $0x80000046;
	[dreg:$0x1] =	wrdreg $0xFFFFFFFF  }
0xa9: {  	s28 =	simm.s32 $_size_execute0_lowered;
	s5 =	sadd.s32 s5, s6;
	[dreg:$0x0] =	wrdreg $0x0  }
0xaa: {  	s6 =	sshll.u32 s28, $0x1;
	[dreg:$0x2] =	wrdreg s5  }
0xab: {  	[dreg:$0x3] =	wrdreg s6  }
0xac: {  	[dreg:$0x4] =	wrdreg $0xC0  }
0xad: {  	_ =	task [dreg:s9], $0x5FFFF  }
0xae: {  	[dreg:$0x1] =	wrdreg $0xFFFFFFFF  }
0xaf: {  	[dreg:$0x0] =	wrdreg $0x60  }
0xb0: {  	[dreg:$0x2] =	wrdreg s19  }
0xb1: {  	[dreg:$0x3] =	wrdreg s2  }
0xb2: {  	[dreg:$0x4] =	wrdreg s4  }
0xb3: {  	[dreg:$0x5] =	wrdreg $0x9  }
0xb4: {  	_ =	task.clear_ibuf [dreg:s9], $0x6FFFF;
	_ =	strace $0x90000046  }
0xb5: {  	s29 =	simm.s32 $0x9;
	_ =	strace $0x80000048  }
0xb6: {  	_ =	swait.ge [sflag:s29], $0x1  }
0xb7: {  	[sflag:s29] =	ssyncadd.s32 $0xFFFFFFFF  }
0xb8: {  	_ =	strace $0x90000048  }
0xb9: {  	_ =	sfence  }
0xba: {  	s30 =	sld [smem:$0x0];
	_ =	sdelay $0x2  }
0xbb: {  	s31 =	sshll.u32 s1, $0xD;
	s1 =	sshrl.u32 s1, $0x2  }
0xbc: {  	s3 =	sand.u32 $0x4000, s31;
	s1 =	sadd.s32 s1, s30  }
0xbd: {  	s0 =	sor.u32 s3, s0;
	s1 =	sshll.u32 s1, $0x11  }
0xbe: {  	s0 =	sor.u32 s1, s0  }
0xbf: {  	s0 =	sadd.s32 $0x8F2B, s0  }
0xc0: {  	[sflag:s0] =	ssyncadd.remote.s32 $0x1  }
0xc1: {  	_ =	sfence.sel $0xFFFF  }
0xc2: {  	[dreg:$0x0] =	wrdreg $0xFFFFFFFF;
	(pc) =	sbr.abs _section_cstart, $3  }
0xc3: {  	[dreg:$0x1] =	wrdreg $0xFFFFFFFF  }
0xc4: {  	_ =	task.clear_ibuf [dreg:s9], $0x2FFFF;
	_ =	strace $0x9FFFFFFF  }
0xc5: {  	(tm) =	ssettm $0x7FFFFFFF  }
tec
execute0_lowered:
.L_overlay_start_1:
0x0: {  	(tag) =	ssettag $0x1  }
0x1: {  	s1 =	rddreg [dreg:$0x0]  }
0x2: {  	s3 =	rddreg [dreg:$0x1]  }
0x3: {  	s2 =	srdreg.scid;
	s0 =	stileid.u32  }
0x4: {  	s4 =	rddreg [dreg:$0x2];
	s5 =	simm.s32 $0x0;
	s13 =	simm.s32 $0x3  }
0x5: {  	s14 =	simm.s32 $0x1000;
	s15 =	simm.s32 $0xC3800;
	s16 =	simm.s32 $0x3100  }
0x6: {  	s17 =	simm.s32 $0xB100;
	s18 =	simm.s32 $0x1;
	s19 =	simm.s32 $0x13100  }
0x7: {  	s20 =	simm.s32 $0x2;
	s21 =	simm.s32 $0x0;
	s2 =	sand.u32 $0x1, s2  }
.Ltmp0:
0x8: {  	s6 =	sshll.u32 s0, $0x1;
	[smem:$0x7FF] =	sst s5;
	(pc) =	sbr.rel .LBB2_1-.Ltmp0, $4  }
0x9: {  	s11 =	sadd.s32 $0x18600, s1;
	s6 =	sor.u32 s2, s6;
	s2 =	ssub.s32 $0x2, s2  }
0xa: {  	_ =	strace $0x80000047;
	s7 =	sshll.u32 s6, $0x9;
	s8 =	sshrl.u32 s2, $0x1  }
0xb: {  	v1 =	vlaneseq.u32;
	v2 =	vimm.s32 $0x31000000;
	vm0 =	vmmov $0xffff;
	s9 =	sor.u32 $0x40, s6;
	s7 =	sadd.s32 s1, s7;
	s2 =	ssub.s32 s2, s8  }
0xc: {  	v3 =	vor.u32 $0x1FF000, v1;
	v4 =	vmul.u32 $0x80, v1;
	s10 =	sor.u32 $0x60, s6;
	v0 =	vmov s6;
	s8 =	sadd.s32 $0x4000, s7;
	s12 =	smax.u32 s2, $0x1  }
.LBB2_32:
0xd: {  	s21 =	sadd.s32 $0x1, s21  }
0xe: {  	p0 =	sne.s32 s21, s12  }
.Ltmp1:
0xf: {  	_ = 	snop;
	(pc) =	sbr.rel @!p0 .LBB2_33-.Ltmp1, $1  }
0x10: {  	_ =	sdelay $0x3  }
.LBB2_1:
0x11: {  	[tilespmem:s5], [sflag:$0x3] =	stream.linear.gather [hbm4b:s3+s5], $0x1000, $0x38;
	[tilespmem:$0x13900] =	vst v63  }
0x12: {  	_ =	swait.ge [sflag:s13], $0x1000  }
0x13: {  	[sflag:s13] =	ssyncset.done $0x0  }
0x14: {  	[sflag:s13] =	ssyncadd.s32 $0xFFFFF000  }
0x15: {  	[tilespmem:s16], [sflag:$0x1] =	stream.strided.gather [hbm4b:s7+s14], $0x8000, s15, s14, $0x38;
	[tilespmem:$0x13900] =	vst v63  }
0x16: {  	s2 =	simm.s32 $0x20  }
0x17: {  	[tilespmem:s17], [sflag:$0x2] =	stream.strided.gather [hbm4b:s8+s14], $0x8000, s15, s14, $0x38;
	[tilespmem:$0x13900] =	vst v63  }
0x18: {  	v5 =	vld [tilespmem:s2+$0xFFFFFFE0];
	_ =	sdelay $0x4  }
0x19: {  	v6 =	vshrl.u32 v5, $0x9;
	v5 =	vshll.u32 v5, $0xD  }
0x1a: {  	v6 =	vand.u32 $0x1F, v6;
	v5 =	vadd.s32 s5, v5  }
0x1b: {  	vm1 =	veq.s32 v6, v0;
	v5 =	vadd.s32 v1, v5  }
0x1c: {  	[tilespmem:s5+$0x1000] =	vst.msk vm1, v5;
	v5 =	vmpcnt.ones.xlane vm1  }
0x1d: {  	v6 =	vld [tilespmem:s2+$0xFFFFFFF0]  }
0x1e: {  	v5 =	vxor.u32 $0x80000000, v5  }
0x1f: {  	(xrf0) =	vmax.scan.msk.u32 $0xffff, v5;
	_ =	sdelay $0x2  }
0x20: {  	v5 =	vshrl.u32 v6, $0x9  }
0x21: {  	v5 =	vand.u32 $0x1F, v5  }
0x22: {  	vm1 =	veq.s32 v5, v0  }
0x23: {  	v5 =	vmpcnt.ones.xlane vm1;
	v7, _, _ =	vpop (xrf0)  }
0x24: {  	(v2sf) =	vpush v7, $0xF  }
0x25: {  	v5 =	vxor.u32 $0x80000000, v5  }
0x26: {  	(xrf0) =	vmax.scan.msk.u32 $0xffff, v5;
	_ =	sdelay $0x5  }
0x27: {  	v5, _, _ =	vpop (xrf0)  }
0x28: {  	(v2sf) =	vpush v5, $0xF;
	_ =	sdelay $0x5  }
0x29: {  	s22 =	simm.s32 $0x10;
	v5 =	vshll.u32 v6, $0xD;
	s23 =	spop (v2sf)  }
0x2a: {  	v5 =	vadd.s32 s22, v5;
	s26 =	sadd.s32 $0x0, s23  }
0x2b: {  	v5 =	vadd.s32 v1, v5;
	s22 =	sadd.s32 $0x80000000, s26  }
0x2c: {  	[tilespmem:s22+$0x1000] =	vst.msk vm1, v5  }
0x2d: {  	v5 =	vld [tilespmem:s2+$0x0];
	_ =	sdelay $0x4  }
0x2e: {  	s28 =	simm.s32 $0x20;
	v6 =	vshrl.u32 v5, $0x9;
	v5 =	vshll.u32 v5, $0xD;
	s24 =	spop (v2sf)  }
0x2f: {  	s22 =	sadd.s32 s24, s22;
	v6 =	vand.u32 $0x1F, v6;
	v5 =	vadd.s32 s28, v5  }
0x30: {  	s22 =	sadd.s32 $0x80000000, s22;
	vm1 =	veq.s32 v6, v0;
	v5 =	vadd.s32 v1, v5  }
0x31: {  	[tilespmem:s22+$0x1000] =	vst.msk vm1, v5;
	v5 =	vmpcnt.ones.xlane vm1  }
0x32: {  	v6 =	vld [tilespmem:s2+$0x10]  }
0x33: {  	v5 =	vxor.u32 $0x80000000, v5  }
0x34: {  	(xrf0) =	vmax.scan.msk.u32 $0xffff, v5;
	_ =	sdelay $0x2  }
0x35: {  	v5 =	vshrl.u32 v6, $0x9  }
0x36: {  	v5 =	vand.u32 $0x1F, v5  }
0x37: {  	vm1 =	veq.s32 v5, v0  }
0x38: {  	v5 =	vmpcnt.ones.xlane vm1;
	v7, _, _ =	vpop (xrf0)  }
0x39: {  	(v2sf) =	vpush v7, $0xF  }
0x3a: {  	v5 =	vxor.u32 $0x80000000, v5  }
0x3b: {  	(xrf0) =	vmax.scan.msk.u32 $0xffff, v5;
	_ =	sdelay $0x5  }
0x3c: {  	v5, _, _ =	vpop (xrf0)  }
0x3d: {  	(v2sf) =	vpush v5, $0xF;
	_ =	sdelay $0x5  }
0x3e: {  	s29 =	simm.s32 $0x30;
	v5 =	vshll.u32 v6, $0xD;
	s30 =	spop (v2sf)  }
0x3f: {  	v5 =	vadd.s32 s29, v5;
	s31 =	sadd.s32 s30, s22  }
0x40: {  	v5 =	vadd.s32 v1, v5;
	s2 =	sadd.s32 $0x80000000, s31  }
0x41: {  	s23 =	simm.s32 $0x60;
	[tilespmem:s2+$0x1000] =	vst.msk vm1, v5  }
0x42: {  	v5 =	vld [tilespmem:s23+$0xFFFFFFE0];
	_ =	sdelay $0x4  }
0x43: {  	s22 =	simm.s32 $0x40;
	v6 =	vshrl.u32 v5, $0x9;
	v7 =	vshll.u32 v5, $0xD;
	s25 =	spop (v2sf)  }
0x44: {  	s24 =	simm.s32 $0x4;
	v5 =	vand.u32 $0x1F, v6;
	v6 =	vadd.s32 s22, v7;
	s2 =	sadd.s32 s25, s2  }
.LBB2_2:
0x45: {  	s24 =	sadd.s32 $0x4, s24;
	vm1 =	veq.s32 v5, v0;
	v5 =	vadd.s32 v1, v6;
	s2 =	sadd.s32 $0x80000000, s2  }
0x46: {  	p0 =	slt.u32 s24, $0xFC;
	[tilespmem:s2+$0x1000] =	vst.msk vm1, v5;
	v5 =	vmpcnt.ones.xlane vm1  }
0x47: {  	v6 =	vld [tilespmem:s23+$0xFFFFFFF0]  }
0x48: {  	v5 =	vxor.u32 $0x80000000, v5  }
0x49: {  	(xrf0) =	vmax.scan.msk.u32 $0xffff, v5;
	_ =	sdelay $0x2  }
0x4a: {  	s25 =	sadd.s32 $0x10, s22;
	v5 =	vshrl.u32 v6, $0x9;
	v6 =	vshll.u32 v6, $0xD  }
0x4b: {  	v5 =	vand.u32 $0x1F, v5;
	v6 =	vadd.s32 s25, v6  }
0x4c: {  	vm1 =	veq.s32 v5, v0  }
0x4d: {  	v5 =	vmpcnt.ones.xlane vm1;
	v7, _, _ =	vpop (xrf0)  }
0x4e: {  	(v2sf) =	vpush v7, $0xF  }
0x4f: {  	v5 =	vxor.u32 $0x80000000, v5  }
0x50: {  	(xrf0) =	vmax.scan.msk.u32 $0xffff, v5;
	_ =	sdelay $0x5  }
0x51: {  	v5, _, _ =	vpop (xrf0)  }
0x52: {  	(v2sf) =	vpush v5, $0xF;
	_ =	sdelay $0x5  }
0x53: {  	s25 =	spop (v2sf)  }
0x54: {  	s2 =	sadd.s32 s25, s2  }
0x55: {  	v5 =	vadd.s32 v1, v6;
	s2 =	sadd.s32 $0x80000000, s2  }
0x56: {  	[tilespmem:s2+$0x1000] =	vst.msk vm1, v5  }
0x57: {  	v5 =	vld [tilespmem:s23+$0x0];
	_ =	sdelay $0x4  }
0x58: {  	s25 =	sadd.s32 $0x20, s22;
	v6 =	vshrl.u32 v5, $0x9;
	v5 =	vshll.u32 v5, $0xD;
	s26 =	spop (v2sf)  }
0x59: {  	s2 =	sadd.s32 s26, s2;
	v6 =	vand.u32 $0x1F, v6;
	v5 =	vadd.s32 s25, v5  }
0x5a: {  	s2 =	sadd.s32 $0x80000000, s2;
	vm1 =	veq.s32 v6, v0;
	v5 =	vadd.s32 v1, v5  }
0x5b: {  	[tilespmem:s2+$0x1000] =	vst.msk vm1, v5;
	v5 =	vmpcnt.ones.xlane vm1  }
0x5c: {  	v6 =	vld [tilespmem:s23+$0x10]  }
0x5d: {  	v5 =	vxor.u32 $0x80000000, v5  }
0x5e: {  	(xrf0) =	vmax.scan.msk.u32 $0xffff, v5;
	_ =	sdelay $0x2  }
0x5f: {  	s25 =	sadd.s32 $0x30, s22;
	v5 =	vshrl.u32 v6, $0x9;
	v6 =	vshll.u32 v6, $0xD  }
0x60: {  	v5 =	vand.u32 $0x1F, v5;
	v6 =	vadd.s32 s25, v6  }
0x61: {  	vm1 =	veq.s32 v5, v0  }
0x62: {  	v5 =	vmpcnt.ones.xlane vm1;
	v7, _, _ =	vpop (xrf0)  }
0x63: {  	(v2sf) =	vpush v7, $0xF  }
0x64: {  	v5 =	vxor.u32 $0x80000000, v5  }
0x65: {  	(xrf0) =	vmax.scan.msk.u32 $0xffff, v5;
	_ =	sdelay $0x5  }
0x66: {  	v5, _, _ =	vpop (xrf0)  }
0x67: {  	(v2sf) =	vpush v5, $0xF;
	_ =	sdelay $0x5  }
0x68: {  	s25 =	spop (v2sf)  }
0x69: {  	s2 =	sadd.s32 s25, s2  }
0x6a: {  	v5 =	vadd.s32 v1, v6;
	s2 =	sadd.s32 $0x80000000, s2  }
0x6b: {  	s23 =	sadd.s32 $0x40, s23;
	[tilespmem:s2+$0x1000] =	vst.msk vm1, v5  }
0x6c: {  	v5 =	vld [tilespmem:s23+$0xFFFFFFE0];
	_ =	sdelay $0x1  }
.Ltmp2:
0x6d: {  	(pc) =	sbr.rel @p0 .LBB2_2-.Ltmp2, $3  }
0x6e: {  	_ =	sdelay $0x1  }
0x6f: {  	s22 =	sadd.s32 $0x40, s22;
	v6 =	vshrl.u32 v5, $0x9;
	v7 =	vshll.u32 v5, $0xD;
	s25 =	spop (v2sf)  }
0x70: {  	v5 =	vand.u32 $0x1F, v6;
	v6 =	vadd.s32 s22, v7;
	s2 =	sadd.s32 s25, s2  }
0x71: {  	vm1 =	veq.s32 v5, v0;
	v5 =	vadd.s32 v1, v6;
	s2 =	sadd.s32 $0x80000000, s2  }
0x72: {  	[tilespmem:s2+$0x1000] =	vst.msk vm1, v5;
	v5 =	vmpcnt.ones.xlane vm1  }
0x73: {  	v6 =	vld [tilespmem:s23+$0xFFFFFFF0]  }
0x74: {  	v5 =	vxor.u32 $0x80000000, v5  }
0x75: {  	(xrf0) =	vmax.scan.msk.u32 $0xffff, v5;
	_ =	sdelay $0x2  }
0x76: {  	v5 =	vshrl.u32 v6, $0x9  }
0x77: {  	v5 =	vand.u32 $0x1F, v5  }
0x78: {  	vm1 =	veq.s32 v5, v0  }
0x79: {  	v5 =	vmpcnt.ones.xlane vm1;
	v7, _, _ =	vpop (xrf0)  }
0x7a: {  	(v2sf) =	vpush v7, $0xF  }
0x7b: {  	v5 =	vxor.u32 $0x80000000, v5  }
0x7c: {  	(xrf0) =	vmax.scan.msk.u32 $0xffff, v5;
	_ =	sdelay $0x5  }
0x7d: {  	v5, _, _ =	vpop (xrf0)  }
0x7e: {  	(v2sf) =	vpush v5, $0xF;
	_ =	sdelay $0x5  }
0x7f: {  	s24 =	sadd.s32 $0x10, s22;
	v5 =	vshll.u32 v6, $0xD;
	s25 =	spop (v2sf)  }
0x80: {  	v5 =	vadd.s32 s24, v5;
	s2 =	sadd.s32 s25, s2  }
0x81: {  	v5 =	vadd.s32 v1, v5;
	s2 =	sadd.s32 $0x80000000, s2  }
0x82: {  	[tilespmem:s2+$0x1000] =	vst.msk vm1, v5  }
0x83: {  	v5 =	vld [tilespmem:s23+$0x0];
	_ =	sdelay $0x4  }
0x84: {  	s31 =	sadd.s32 $0x20, s22;
	v6 =	vshrl.u32 v5, $0x9;
	v5 =	vshll.u32 v5, $0xD;
	s0 =	spop (v2sf)  }
0x85: {  	s2 =	sadd.s32 s0, s2;
	v6 =	vand.u32 $0x1F, v6;
	v5 =	vadd.s32 s31, v5  }
0x86: {  	s2 =	sadd.s32 $0x80000000, s2;
	vm1 =	veq.s32 v6, v0;
	v5 =	vadd.s32 v1, v5  }
0x87: {  	[tilespmem:s2+$0x1000] =	vst.msk vm1, v5  }
0x88: {  	v5 =	vld [tilespmem:s23+$0x10];
	_ =	sdelay $0x4  }
0x89: {  	v6 =	vshrl.u32 v5, $0x9  }
0x8a: {  	v7 =	vmpcnt.ones.xlane vm1;
	v6 =	vand.u32 $0x1F, v6  }
0x8b: {  	vm1 =	veq.s32 v6, v0  }
0x8c: {  	v6 =	vxor.u32 $0x80000000, v7;
	v7 =	vmpcnt.ones.xlane vm1  }
0x8d: {  	(xrf0) =	vmax.scan.msk.u32 $0xffff, v6  }
0x8e: {  	v6 =	vxor.u32 $0x80000000, v7  }
0x8f: {  	(xrf0) =	vmax.scan.msk.u32 $0xffff, v6;
	_ =	sdelay $0x3  }
0x90: {  	v6, _, _ =	vpop (xrf0)  }
0x91: {  	(v2sf) =	vpush v6, $0xF  }
0x92: {  	v6, _, _ =	vpop (xrf0)  }
0x93: {  	(v2sf) =	vpush v6, $0xF;
	_ =	sdelay $0xc  }
0x94: {  	s24 =	spop (v2sf)  }
0x95: {  	s2 =	sadd.s32 s24, s2  }
0x96: {  	s2 =	sadd.s32 $0x80000000, s2;
	s25 =	spop (v2sf)  }
0x97: {  	s23 =	sadd.s32 s25, s2  }
0x98: {  	s23 =	sadd.s32 $0x80000000, s23  }
0x99: {  	s26 =	sadd.s32 $0xF, s23  }
0x9a: {  	s30 =	sadd.s32 $0x30, s22;
	s28 =	sand.u32 $0xF, s26  }
0x9b: {  	s29 =	sshra.s32 s26, $0x1F;
	p1 =	slt.s32 s26, $0x1;
	p0 =	sne.s32 s28, $0x0  }
.Ltmp3:
0x9c: {  	v5 =	vshll.u32 v5, $0xD;
	s25 =	sshrl.u32 s29, $0x1C;
	p0 =	por !p1, !p0;
	(pc) =	sbr.rel .LBB2_4-.Ltmp3, $4  }
0x9d: {  	v5 =	vadd.s32 s30, v5;
	s24 =	simm.s32 $0x1;
	s31 =	sadd.s32 s25, s26;
	p0 =	por !p0, !p0  }
0x9e: {  	v5 =	vadd.s32 v1, v5;
	s22 =	sshra.s32 s31, $0x4;
	s24 =	simm.s32 @!p0 $0x0  }
0x9f: {  	[tilespmem:s2+$0x1000] =	vst.msk vm1, v5;
	s22 =	ssub.s32 s22, s24  }
0xa0: {  	[tilespmem:s23+$0x1000] =	vst v2;
	s23 =	simm.s32 $0x0;
	p0 =	slt.s32 s22, $0x1  }
.LBB2_31:
0xa1: {  	s0 =	sadd.s32 s10, s24  }
0xa2: {  	p1 =	sgt.u32 s0, $0xC2  }
0xa3: {  	s23 =	sadd.s32 $0x1, s23;
	s0 =	sshll.u32 @!p1 s0, $0x9;
	s2 =	simm.s32 @!p1 $0x1000  }
0xa4: {  	s24 =	simm.s32 @!p1 $0xC3800;
	s25 =	simm.s32 @!p1 $0xB100;
	s0 =	sadd.s32 @!p1 s1, s0  }
0xa5: {  	[tilespmem:s25], [sflag:$0x2] =	stream.strided.gather @!p1 [hbm4b:s0+s2], $0x8000, s24, s2, $0x38;
	[tilespmem:$0x13900] =	vst v63  }
0xa6: {  	p1 =	sne.s32 s23, $0x4  }
.Ltmp4:
0xa7: {  	_ = 	snop;
	(pc) =	sbr.rel @!p1 .LBB2_32-.Ltmp4, $1  }
0xa8: {  	_ =	sdelay $0x3  }
.LBB2_4:
0xa9: {  	s24 =	sshll.u32 s23, $0x6  }
0xaa: {  	s25 =	sor.u32 s6, s24  }
0xab: {  	p1 =	sgt.u32 s25, $0xC2  }
.Ltmp5:
0xac: {  	_ = 	snop;
	(pc) =	sbr.rel @p1 .LBB2_6-.Ltmp5, $1  }
0xad: {  	_ =	sdelay $0x3  }
.Ltmp6:
0xae: {  	(pc) =	sbr.rel .LBB2_8-.Ltmp6, $4  }
0xaf: {  	_ = 	snop  }
0xb0: {  	_ =	swait.ge [sflag:s18], $0x8000  }
0xb1: {  	[sflag:s18] =	ssyncset.done $0x0  }
0xb2: {  	[sflag:s18] =	ssyncadd.s32 $0xFFFF8000  }
.LBB2_6:
0xb3: {  	p1 =	sne.s32 s25, $0xC3  }
.Ltmp7:
0xb4: {  	_ = 	snop;
	(pc) =	sbr.rel @p1 .LBB2_19-.Ltmp7, $1  }
0xb5: {  	_ =	sdelay $0x3  }
0xb6: {  	_ =	swait.ge [sflag:s18], $0x4000  }
0xb7: {  	[sflag:s18] =	ssyncset.done $0x0  }
0xb8: {  	[sflag:s18] =	ssyncadd.s32 $0xFFFFC000  }
.LBB2_8:
.Ltmp8:
0xb9: {  	(pc) =	sbr.rel @p0 .LBB2_15-.Ltmp8, $2  }
0xba: {  	_ =	sdelay $0x2  }
0xbb: {  	s26 =	simm.s32 $0x0;
	s2 =	simm.s32 $0x0  }
0xbc: {  	p2 =	sne.s32 s22, $0x1  }
.Ltmp9:
0xbd: {  	_ = 	snop;
	(pc) =	sbr.rel @!p2 .LBB2_10-.Ltmp9, $3  }
0xbe: {  	_ =	sdelay $0x1  }
0xbf: {  	s2 =	simm.s32 $0x1000  }
0xc0: {  	v6 =	vmov s25;
	s28 =	simm.s32 $0x0;
	s29 =	sadd.s32 $0xFFFFFFFF, s22;
	p1 =	por $0x0, $0x0;
	v5 =	vld [tilespmem:s2+$0x0]  }
0xc1: {  	_ =	sdelay $0x3  }
0xc2: {  	v7 =	vshra.s32 v5, $0x16  }
0xc3: {  	vm1 =	veq.s32 v7, v6  }
0xc4: {  	v7 =	vmpcnt.ones.xlane vm1;
	_ =	sdelay $0x1  }
0xc5: {  	v7 =	vxor.u32 $0x80000000, v7  }
0xc6: {  	(xrf0) =	vmax.scan.msk.u32 $0xffff, v7;
	_ =	sdelay $0x2  }
0xc7: {  	p2 =	sne.s32 s29, $0x1  }
.Ltmp10:
0xc8: {  	_ = 	snop;
	(pc) =	sbr.rel @!p2 .LBB2_12-.Ltmp10, $4  }
0xc9: {  	_ = 	snop  }
0xca: {  	v7, _, _ =	vpop (xrf0)  }
0xcb: {  	s2 =	simm.s32 $0x1010;
	[tilespmem:s28+$0x2080] =	vst.msk vm1, v5;
	(v2sf) =	vpush v7, $0xF  }
0xcc: {  	s30 =	sadd.s32 $0xFFFFFFFF, s29;
	p1 =	por $0x1, $0x1;
	s29 =	simm.s32 $0x0;
	v5 =	vld [tilespmem:s2+$0x0]  }
.LBB2_13:
0xcd: {  	p2 =	sne.s32 s30, $0x1;
	_ =	sdelay $0x3  }
0xce: {  	v7 =	vshra.s32 v5, $0x16  }
0xcf: {  	vm1 =	veq.s32 v7, v6  }
0xd0: {  	v7 =	vmpcnt.ones.xlane vm1;
	_ =	sdelay $0x1  }
0xd1: {  	v7 =	vxor.u32 $0x80000000, v7  }
0xd2: {  	(xrf0) =	vmax.scan.msk.u32 $0xffff, v7;
	_ =	sdelay $0x3  }
.Ltmp11:
0xd3: {  	s31 =	spop (v2sf);
	(pc) =	sbr.rel @p2 .LBB2_13-.Ltmp11, $4  }
0xd4: {  	s29 =	sadd.s32 s31, s29  }
0xd5: {  	v7, _, _ =	vpop (xrf0);
	s29 =	sadd.s32 $0x80000000, s29  }
0xd6: {  	s2 =	sadd.s32 $0x10, s2;
	[tilespmem:s29+$0x2080] =	vst.msk vm1, v5;
	(v2sf) =	vpush v7, $0xF  }
0xd7: {  	s30 =	sadd.s32 $0xFFFFFFFF, s30;
	v5 =	vld [tilespmem:s2+$0x0]  }
.LBB2_14:
0xd8: {  	_ =	sdelay $0x3  }
0xd9: {  	v7 =	vshra.s32 v5, $0x16  }
0xda: {  	vm1 =	veq.s32 v7, v6  }
0xdb: {  	v6 =	vmpcnt.ones.xlane vm1;
	_ =	sdelay $0x1  }
0xdc: {  	v6 =	vxor.u32 $0x80000000, v6  }
0xdd: {  	(xrf0) =	vmax.scan.msk.u32 $0xffff, v6;
	_ =	sdelay $0x5  }
0xde: {  	v6, _, _ =	vpop (xrf0)  }
0xdf: {  	(v2sf) =	vpush v6, $0xF;
	_ =	sdelay $0xb  }
0xe0: {  	s2 =	spop @p1 (v2sf)  }
0xe1: {  	s2 =	sadd.s32 @p1 s2, s29  }
0xe2: {  	s2 =	sadd.s32 @p1 $0x80000000, s2  }
0xe3: {  	s28 =	smov.u32 @p1 s2;
	s31 =	spop (v2sf)  }
0xe4: {  	s2 =	sadd.s32 s31, s28  }
0xe5: {  	[tilespmem:s28+$0x2080] =	vst.msk vm1, v5;
	s2 =	sadd.s32 $0x80000000, s2  }
.LBB2_15:
0xe6: {  	s28 =	sadd.s32 $0xF, s2  }
0xe7: {  	s29 =	sand.u32 $0xF, s28  }
0xe8: {  	s30 =	sshra.s32 s28, $0x1F;
	p1 =	slt.s32 s28, $0x1;
	p2 =	sne.s32 s29, $0x0  }
0xe9: {  	s31 =	sshrl.u32 s30, $0x1C;
	p1 =	por !p1, !p2  }
0xea: {  	s29 =	simm.s32 $0x1;
	s28 =	sadd.s32 s31, s28;
	p1 =	por !p1, !p1  }
0xeb: {  	s28 =	sshra.s32 s28, $0x4;
	s29 =	simm.s32 @!p1 $0x0  }
0xec: {  	s28 =	ssub.s32 s28, s29  }
0xed: {  	p1 =	slt.s32 s28, $0x1  }
.Ltmp12:
0xee: {  	_ = 	snop;
	(pc) =	sbr.rel @p1 .LBB2_19-.Ltmp12, $2  }
0xef: {  	_ =	sdelay $0x2  }
0xf0: {  	[tilespmem:s2+$0x2080] =	vst v3  }
.LBB2_16:
0xf1: {  	s2 =	sshll.u32 s26, $0x6  }
0xf2: {  	s2 =	sshra.s32 s2, $0x2  }
0xf3: {  	v5 =	vld [tilespmem:s2+$0x2080];
	_ =	sdelay $0x4  }
0xf4: {  	s0 =	simm.s32 $0x0;
	v6 =	vshrl.u32 v5, $0xD;
	v7 =	vshrl.u32 v5, $0xA  }
0xf5: {  	v9 =	vmov s0;
	v6 =	vand.u32 $0x7F, v6;
	v7 =	vand.u32 $0xC00, v7  }
0xf6: {  	v8 =	vor.u32 v7, v6;
	v6 =	vshll.u32 v9, $0x9  }
0xf7: {  	v7 =	vor.u32 v8, v6;
	_ =	sdelay $0x1  }
0xf8: {  	s29 =	simm.s32 $0x1  }
0xf9: {  	v6 =	vmov s29  }
0xfa: {  	v9 =	vshll.u32 v6, $0x9  }
0xfb: {  	v10 =	vor.u32 s0, v4;
	v6 =	vor.u32 $0x80, v8;
	v9 =	vand.u32 $0x6000, v9;
	v7 =	vld.idx.msk [tilespmem:v7+s16+$0x0], $0xffff  }
0xfc: {  	v9 =	vor.u32 v9, v6;
	_ =	sdelay $0x1  }
0xfd: {  	s0 =	simm.s32 $0x2  }
0xfe: {  	v11 =	vmov s0  }
0xff: {  	[tilespmem:v10+s19+$0x0] =	vst.idx.msk $0xffff, v7;
	v10 =	vshll.u32 v11, $0x9  }
0x100: {  	v7 =	vor.u32 $0x100, v8;
	v11 =	vor.u32 s29, v4;
	v9 =	vld.idx.msk [tilespmem:v9+s16+$0x0], $0xffff;
	v10 =	vand.u32 $0x6000, v10  }
0x101: {  	v10 =	vor.u32 v10, v7;
	_ =	sdelay $0x1  }
0x102: {  	s29 =	simm.s32 $0x3  }
0x103: {  	v12 =	vmov s29  }
0x104: {  	[tilespmem:v11+s19+$0x0] =	vst.idx.msk $0xffff, v9;
	v11 =	vshll.u32 v12, $0x9  }
0x105: {  	v9 =	vor.u32 $0x180, v8;
	v12 =	vor.u32 s0, v4;
	v10 =	vld.idx.msk [tilespmem:v10+s16+$0x0], $0xffff;
	v11 =	vand.u32 $0x6000, v11  }
0x106: {  	v11 =	vor.u32 v11, v9;
	_ =	sdelay $0x1  }
0x107: {  	s0 =	simm.s32 $0x4  }
0x108: {  	v13 =	vmov s0  }
0x109: {  	[tilespmem:v12+s19+$0x0] =	vst.idx.msk $0xffff, v10;
	v12 =	vshll.u32 v13, $0x9  }
0x10a: {  	v10 =	vor.u32 $0x200, v8;
	v13 =	vor.u32 s29, v4;
	v11 =	vld.idx.msk [tilespmem:v11+s16+$0x0], $0xffff;
	v12 =	vand.u32 $0x6000, v12  }
0x10b: {  	v12 =	vor.u32 v12, v10;
	_ =	sdelay $0x1  }
0x10c: {  	s29 =	simm.s32 $0x5  }
0x10d: {  	v14 =	vmov s29  }
0x10e: {  	[tilespmem:v13+s19+$0x0] =	vst.idx.msk $0xffff, v11;
	v13 =	vshll.u32 v14, $0x9  }
0x10f: {  	v11 =	vor.u32 $0x280, v8;
	v14 =	vor.u32 s0, v4;
	v12 =	vld.idx.msk [tilespmem:v12+s16+$0x0], $0xffff;
	v13 =	vand.u32 $0x6000, v13  }
0x110: {  	v13 =	vor.u32 v13, v11;
	_ =	sdelay $0x1  }
0x111: {  	s0 =	simm.s32 $0x6  }
0x112: {  	v15 =	vmov s0  }
0x113: {  	[tilespmem:v14+s19+$0x0] =	vst.idx.msk $0xffff, v12;
	v14 =	vshll.u32 v15, $0x9  }
0x114: {  	v12 =	vor.u32 $0x300, v8;
	v15 =	vor.u32 s29, v4;
	v13 =	vld.idx.msk [tilespmem:v13+s16+$0x0], $0xffff;
	v14 =	vand.u32 $0x6000, v14  }
0x115: {  	v14 =	vor.u32 v14, v12;
	_ =	sdelay $0x1  }
0x116: {  	s29 =	simm.s32 $0x7  }
0x117: {  	v16 =	vmov s29  }
0x118: {  	[tilespmem:v15+s19+$0x0] =	vst.idx.msk $0xffff, v13;
	v15 =	vshll.u32 v16, $0x9  }
0x119: {  	v50 =	vor.u32 s0, v4;
	v13 =	vor.u32 $0x380, v8;
	v14 =	vld.idx.msk [tilespmem:v14+s16+$0x0], $0xffff;
	v15 =	vand.u32 $0x6000, v15  }
0x11a: {  	v15 =	vor.u32 v15, v13;
	_ =	sdelay $0x2  }
0x11b: {  	s0 =	simm.s32 $0x8  }
0x11c: {  	[tilespmem:v50+s19+$0x0] =	vst.idx.msk $0xffff, v14;
	v14 =	vmov s0  }
0x11d: {  	v51 =	vor.u32 s29, v4;
	v15 =	vld.idx.msk [tilespmem:v15+s16+$0x0], $0xffff;
	v14 =	vshll.u32 v14, $0x9  }
0x11e: {  	v14 =	vor.u32 v8, v14;
	_ =	sdelay $0x1  }
0x11f: {  	s29 =	simm.s32 $0x9  }
0x120: {  	v17 =	vmov s29  }
0x121: {  	[tilespmem:v51+s19+$0x0] =	vst.idx.msk $0xffff, v15;
	v15 =	vshll.u32 v17, $0x9  }
0x122: {  	v52 =	vor.u32 s0, v4;
	v14 =	vld.idx.msk [tilespmem:v14+s16+$0x0], $0xffff;
	v15 =	vand.u32 $0x7000, v15  }
0x123: {  	v15 =	vor.u32 v15, v6;
	_ =	sdelay $0x1  }
0x124: {  	s0 =	simm.s32 $0xA  }
0x125: {  	v53 =	vmov s0  }
0x126: {  	[tilespmem:v52+s19+$0x0] =	vst.idx.msk $0xffff, v14;
	v14 =	vshll.u32 v53, $0x9  }
0x127: {  	v54 =	vor.u32 s29, v4;
	v15 =	vld.idx.msk [tilespmem:v15+s16+$0x0], $0xffff;
	v14 =	vand.u32 $0x7000, v14  }
0x128: {  	v14 =	vor.u32 v14, v7;
	_ =	sdelay $0x1  }
0x129: {  	s29 =	simm.s32 $0xB  }
0x12a: {  	v55 =	vmov s29  }
0x12b: {  	[tilespmem:v54+s19+$0x0] =	vst.idx.msk $0xffff, v15;
	v15 =	vshll.u32 v55, $0x9  }
0x12c: {  	v56 =	vor.u32 s0, v4;
	v14 =	vld.idx.msk [tilespmem:v14+s16+$0x0], $0xffff;
	v15 =	vand.u32 $0x7000, v15  }
0x12d: {  	v15 =	vor.u32 v15, v9;
	_ =	sdelay $0x1  }
0x12e: {  	s0 =	simm.s32 $0xC  }
0x12f: {  	v57 =	vmov s0  }
0x130: {  	[tilespmem:v56+s19+$0x0] =	vst.idx.msk $0xffff, v14;
	v14 =	vshll.u32 v57, $0x9  }
0x131: {  	v58 =	vor.u32 s29, v4;
	v15 =	vld.idx.msk [tilespmem:v15+s16+$0x0], $0xffff;
	v14 =	vand.u32 $0x7000, v14  }
0x132: {  	v14 =	vor.u32 v14, v10;
	_ =	sdelay $0x1  }
0x133: {  	s29 =	simm.s32 $0xD  }
0x134: {  	v59 =	vmov s29  }
0x135: {  	[tilespmem:v58+s19+$0x0] =	vst.idx.msk $0xffff, v15;
	v15 =	vshll.u32 v59, $0x9  }
0x136: {  	v60 =	vor.u32 s0, v4;
	v14 =	vld.idx.msk [tilespmem:v14+s16+$0x0], $0xffff;
	v15 =	vand.u32 $0x7000, v15  }
0x137: {  	v15 =	vor.u32 v15, v11;
	_ =	sdelay $0x1  }
0x138: {  	s0 =	simm.s32 $0xE  }
0x139: {  	v61 =	vmov s0  }
0x13a: {  	[tilespmem:v60+s19+$0x0] =	vst.idx.msk $0xffff, v14;
	v14 =	vshll.u32 v61, $0x9  }
0x13b: {  	v62 =	vor.u32 s29, v4;
	v15 =	vld.idx.msk [tilespmem:v15+s16+$0x0], $0xffff;
	v14 =	vand.u32 $0x7000, v14  }
0x13c: {  	v14 =	vor.u32 v14, v12;
	_ =	sdelay $0x3  }
0x13d: {  	s30 =	simm.s32 $0xF;
	[tilespmem:v62+s19+$0x0] =	vst.idx.msk $0xffff, v15  }
0x13e: {  	v15 =	vld.idx.msk [tilespmem:v14+s16+$0x0], $0xffff;
	v14 =	vmov s30  }
0x13f: {  	v14 =	vshll.u32 v14, $0x9  }
0x140: {  	v63 =	vor.u32 s0, v4;
	v14 =	vand.u32 $0x7000, v14  }
0x141: {  	v14 =	vor.u32 v14, v13;
	_ =	sdelay $0x3  }
0x142: {  	s31 =	simm.s32 $0x2F;
	s2 =	simm.s32 $0x10;
	s29 =	simm.s32 $0x1F;
	[tilespmem:v63+s19+$0x0] =	vst.idx.msk $0xffff, v15  }
.LBB2_17:
0x143: {  	p1 =	sne.s32 s31, $0x3F;
	v15 =	vmov s2;
	v14 =	vld.idx.msk [tilespmem:v14+s16+$0x0], $0xffff  }
0x144: {  	v16 =	vor.u32 s30, v4;
	s30 =	smov.u32 s29;
	s29 =	smov.u32 s31;
	v15 =	vshll.u32 v15, $0x9  }
0x145: {  	v15 =	vor.u32 v8, v15;
	_ =	sdelay $0x2  }
0x146: {  	s0 =	sadd.s32 $0xFFFFFFF2, s30  }
0x147: {  	v17 =	vmov s0;
	[tilespmem:v16+s19+$0x0] =	vst.idx.msk $0xffff, v14  }
0x148: {  	v14 =	vld.idx.msk [tilespmem:v15+s16+$0x0], $0xffff;
	v15 =	vshll.u32 v17, $0x9  }
0x149: {  	v16 =	vor.u32 s2, v4;
	v15 =	vand.u32 $0x6000, v15  }
0x14a: {  	v15 =	vor.u32 v15, v6;
	_ =	sdelay $0x2  }
0x14b: {  	s2 =	sadd.s32 $0xFFFFFFF3, s30  }
0x14c: {  	[tilespmem:v16+s19+$0x0] =	vst.idx.msk $0xffff, v14;
	v14 =	vmov s2  }
0x14d: {  	v15 =	vld.idx.msk [tilespmem:v15+s16+$0x0], $0xffff;
	v14 =	vshll.u32 v14, $0x9  }
0x14e: {  	v16 =	vor.u32 s0, v4;
	v14 =	vand.u32 $0x6000, v14  }
0x14f: {  	v14 =	vor.u32 v14, v7;
	_ =	sdelay $0x2  }
0x150: {  	s0 =	sadd.s32 $0xFFFFFFF4, s30  }
0x151: {  	[tilespmem:v16+s19+$0x0] =	vst.idx.msk $0xffff, v15;
	v15 =	vmov s0  }
0x152: {  	v14 =	vld.idx.msk [tilespmem:v14+s16+$0x0], $0xffff;
	v15 =	vshll.u32 v15, $0x9  }
0x153: {  	v16 =	vor.u32 s2, v4;
	v15 =	vand.u32 $0x6000, v15  }
0x154: {  	v15 =	vor.u32 v15, v9;
	_ =	sdelay $0x2  }
0x155: {  	s2 =	sadd.s32 $0xFFFFFFF5, s30  }
0x156: {  	[tilespmem:v16+s19+$0x0] =	vst.idx.msk $0xffff, v14;
	v14 =	vmov s2  }
0x157: {  	v15 =	vld.idx.msk [tilespmem:v15+s16+$0x0], $0xffff;
	v14 =	vshll.u32 v14, $0x9  }
0x158: {  	v16 =	vor.u32 s0, v4;
	v14 =	vand.u32 $0x6000, v14  }
0x159: {  	v14 =	vor.u32 v14, v10;
	_ =	sdelay $0x2  }
0x15a: {  	s0 =	sadd.s32 $0xFFFFFFF6, s30  }
0x15b: {  	[tilespmem:v16+s19+$0x0] =	vst.idx.msk $0xffff, v15;
	v15 =	vmov s0  }
0x15c: {  	v14 =	vld.idx.msk [tilespmem:v14+s16+$0x0], $0xffff;
	v15 =	vshll.u32 v15, $0x9  }
0x15d: {  	v16 =	vor.u32 s2, v4;
	v15 =	vand.u32 $0x6000, v15  }
0x15e: {  	v15 =	vor.u32 v15, v11;
	_ =	sdelay $0x2  }
0x15f: {  	s2 =	sadd.s32 $0xFFFFFFF7, s30  }
0x160: {  	[tilespmem:v16+s19+$0x0] =	vst.idx.msk $0xffff, v14;
	v14 =	vmov s2  }
0x161: {  	v15 =	vld.idx.msk [tilespmem:v15+s16+$0x0], $0xffff;
	v14 =	vshll.u32 v14, $0x9  }
0x162: {  	v16 =	vor.u32 s0, v4;
	v14 =	vand.u32 $0x6000, v14  }
0x163: {  	v14 =	vor.u32 v14, v12;
	_ =	sdelay $0x2  }
0x164: {  	s0 =	sadd.s32 $0xFFFFFFF8, s30  }
0x165: {  	[tilespmem:v16+s19+$0x0] =	vst.idx.msk $0xffff, v15;
	v15 =	vmov s0  }
0x166: {  	v14 =	vld.idx.msk [tilespmem:v14+s16+$0x0], $0xffff;
	v15 =	vshll.u32 v15, $0x9  }
0x167: {  	v16 =	vor.u32 s2, v4;
	v15 =	vand.u32 $0x6000, v15  }
0x168: {  	v15 =	vor.u32 v15, v13;
	_ =	sdelay $0x3  }
0x169: {  	s2 =	sadd.s32 $0xFFFFFFF9, s30;
	[tilespmem:v16+s19+$0x0] =	vst.idx.msk $0xffff, v14  }
0x16a: {  	v14 =	vld.idx.msk [tilespmem:v15+s16+$0x0], $0xffff;
	v15 =	vmov s2  }
0x16b: {  	v16 =	vor.u32 s0, v4;
	v15 =	vshll.u32 v15, $0x9  }
0x16c: {  	v15 =	vor.u32 v8, v15;
	_ =	sdelay $0x2  }
0x16d: {  	s0 =	sadd.s32 $0xFFFFFFFA, s30  }
0x16e: {  	[tilespmem:v16+s19+$0x0] =	vst.idx.msk $0xffff, v14;
	v14 =	vmov s0  }
0x16f: {  	v15 =	vld.idx.msk [tilespmem:v15+s16+$0x0], $0xffff;
	v14 =	vshll.u32 v14, $0x9  }
0x170: {  	v16 =	vor.u32 s2, v4;
	v14 =	vand.u32 $0x7000, v14  }
0x171: {  	v14 =	vor.u32 v14, v6;
	_ =	sdelay $0x2  }
0x172: {  	s2 =	sadd.s32 $0xFFFFFFFB, s30  }
0x173: {  	[tilespmem:v16+s19+$0x0] =	vst.idx.msk $0xffff, v15;
	v15 =	vmov s2  }
0x174: {  	v14 =	vld.idx.msk [tilespmem:v14+s16+$0x0], $0xffff;
	v15 =	vshll.u32 v15, $0x9  }
0x175: {  	v16 =	vor.u32 s0, v4;
	v15 =	vand.u32 $0x7000, v15  }
0x176: {  	v15 =	vor.u32 v15, v7;
	_ =	sdelay $0x2  }
0x177: {  	s0 =	sadd.s32 $0xFFFFFFFC, s30  }
0x178: {  	[tilespmem:v16+s19+$0x0] =	vst.idx.msk $0xffff, v14;
	v14 =	vmov s0  }
0x179: {  	v15 =	vld.idx.msk [tilespmem:v15+s16+$0x0], $0xffff;
	v14 =	vshll.u32 v14, $0x9  }
0x17a: {  	v16 =	vor.u32 s2, v4;
	v14 =	vand.u32 $0x7000, v14  }
0x17b: {  	v14 =	vor.u32 v14, v9;
	_ =	sdelay $0x2  }
0x17c: {  	s2 =	sadd.s32 $0xFFFFFFFD, s30  }
0x17d: {  	[tilespmem:v16+s19+$0x0] =	vst.idx.msk $0xffff, v15;
	v15 =	vmov s2  }
0x17e: {  	v14 =	vld.idx.msk [tilespmem:v14+s16+$0x0], $0xffff;
	v15 =	vshll.u32 v15, $0x9  }
0x17f: {  	v16 =	vor.u32 s0, v4;
	v15 =	vand.u32 $0x7000, v15  }
0x180: {  	v15 =	vor.u32 v15, v10;
	_ =	sdelay $0x2  }
0x181: {  	s0 =	sadd.s32 $0xFFFFFFFE, s30  }
0x182: {  	[tilespmem:v16+s19+$0x0] =	vst.idx.msk $0xffff, v14;
	v14 =	vmov s0  }
0x183: {  	v15 =	vld.idx.msk [tilespmem:v15+s16+$0x0], $0xffff;
	v14 =	vshll.u32 v14, $0x9  }
0x184: {  	v16 =	vor.u32 s2, v4;
	v14 =	vand.u32 $0x7000, v14  }
0x185: {  	v14 =	vor.u32 v14, v11;
	_ =	sdelay $0x2  }
0x186: {  	s2 =	sadd.s32 $0xFFFFFFFF, s30  }
0x187: {  	[tilespmem:v16+s19+$0x0] =	vst.idx.msk $0xffff, v15;
	v15 =	vmov s2  }
0x188: {  	v14 =	vld.idx.msk [tilespmem:v14+s16+$0x0], $0xffff;
	v15 =	vshll.u32 v15, $0x9  }
0x189: {  	v16 =	vor.u32 s0, v4;
	v15 =	vand.u32 $0x7000, v15  }
0x18a: {  	v15 =	vor.u32 v15, v12;
	_ =	sdelay $0x3  }
0x18b: {  	[tilespmem:v16+s19+$0x0] =	vst.idx.msk $0xffff, v14;
	v14 =	vmov s30  }
0x18c: {  	v15 =	vld.idx.msk [tilespmem:v15+s16+$0x0], $0xffff;
	v14 =	vshll.u32 v14, $0x9  }
0x18d: {  	v16 =	vor.u32 s2, v4;
	v14 =	vand.u32 $0x7000, v14  }
.Ltmp13:
0x18e: {  	v14 =	vor.u32 v14, v13;
	(pc) =	sbr.rel @p1 .LBB2_17-.Ltmp13, $2  }
0x18f: {  	_ =	sdelay $0x2  }
0x190: {  	s31 =	sadd.s32 $0x10, s31;
	s2 =	sadd.s32 $0xFFFFFFF1, s29;
	[tilespmem:v16+s19+$0x0] =	vst.idx.msk $0xffff, v15  }
0x191: {  	_ =	sdelay $0x2  }
0x192: {  	v15 =	vmov s2  }
0x193: {  	v14 =	vld.idx.msk [tilespmem:v14+s16+$0x0], $0xffff;
	v16 =	vor.u32 s30, v4;
	v15 =	vshll.u32 v15, $0x9  }
0x194: {  	v15 =	vor.u32 v8, v15;
	_ =	sdelay $0x1  }
0x195: {  	s0 =	sadd.s32 $0xFFFFFFF2, s29  }
0x196: {  	v17 =	vmov s0  }
0x197: {  	v25 =	vshll.u32 v17, $0x9;
	[tilespmem:v16+s19+$0x0] =	vst.idx.msk $0xffff, v14  }
0x198: {  	v26 =	vor.u32 s2, v4;
	v14 =	vand.u32 $0x6000, v25;
	v15 =	vld.idx.msk [tilespmem:v15+s16+$0x0], $0xffff  }
0x199: {  	v14 =	vor.u32 v14, v6;
	_ =	sdelay $0x1  }
0x19a: {  	s31 =	sadd.s32 $0xFFFFFFF3, s29  }
0x19b: {  	v27 =	vmov s31  }
0x19c: {  	v28 =	vshll.u32 v27, $0x9;
	[tilespmem:v26+s19+$0x0] =	vst.idx.msk $0xffff, v15  }
0x19d: {  	v29 =	vor.u32 s0, v4;
	v15 =	vand.u32 $0x6000, v28;
	v14 =	vld.idx.msk [tilespmem:v14+s16+$0x0], $0xffff  }
0x19e: {  	v15 =	vor.u32 v15, v7;
	_ =	sdelay $0x1  }
0x19f: {  	s30 =	sadd.s32 $0xFFFFFFF4, s29  }
0x1a0: {  	v30 =	vmov s30  }
0x1a1: {  	v31 =	vshll.u32 v30, $0x9;
	[tilespmem:v29+s19+$0x0] =	vst.idx.msk $0xffff, v14  }
0x1a2: {  	v32 =	vor.u32 s31, v4;
	v14 =	vand.u32 $0x6000, v31;
	v15 =	vld.idx.msk [tilespmem:v15+s16+$0x0], $0xffff  }
0x1a3: {  	v14 =	vor.u32 v14, v9;
	_ =	sdelay $0x1  }
0x1a4: {  	s31 =	sadd.s32 $0xFFFFFFF5, s29  }
0x1a5: {  	v33 =	vmov s31  }
0x1a6: {  	v34 =	vshll.u32 v33, $0x9;
	[tilespmem:v32+s19+$0x0] =	vst.idx.msk $0xffff, v15  }
0x1a7: {  	v35 =	vor.u32 s30, v4;
	v15 =	vand.u32 $0x6000, v34;
	v14 =	vld.idx.msk [tilespmem:v14+s16+$0x0], $0xffff  }
0x1a8: {  	v15 =	vor.u32 v15, v10;
	_ =	sdelay $0x1  }
0x1a9: {  	s30 =	sadd.s32 $0xFFFFFFF6, s29  }
0x1aa: {  	v36 =	vmov s30  }
0x1ab: {  	v37 =	vshll.u32 v36, $0x9;
	[tilespmem:v35+s19+$0x0] =	vst.idx.msk $0xffff, v14  }
0x1ac: {  	v38 =	vor.u32 s31, v4;
	v14 =	vand.u32 $0x6000, v37;
	v15 =	vld.idx.msk [tilespmem:v15+s16+$0x0], $0xffff  }
0x1ad: {  	v14 =	vor.u32 v14, v11;
	_ =	sdelay $0x1  }
0x1ae: {  	s31 =	sadd.s32 $0xFFFFFFF7, s29  }
0x1af: {  	v39 =	vmov s31  }
0x1b0: {  	v40 =	vshll.u32 v39, $0x9;
	[tilespmem:v38+s19+$0x0] =	vst.idx.msk $0xffff, v15  }
0x1b1: {  	v41 =	vor.u32 s30, v4;
	v15 =	vand.u32 $0x6000, v40;
	v14 =	vld.idx.msk [tilespmem:v14+s16+$0x0], $0xffff  }
0x1b2: {  	v15 =	vor.u32 v15, v12;
	_ =	sdelay $0x1  }
0x1b3: {  	s30 =	sadd.s32 $0xFFFFFFF8, s29  }
0x1b4: {  	v42 =	vmov s30  }
0x1b5: {  	v43 =	vshll.u32 v42, $0x9;
	[tilespmem:v41+s19+$0x0] =	vst.idx.msk $0xffff, v14  }
0x1b6: {  	v44 =	vor.u32 s31, v4;
	v14 =	vand.u32 $0x6000, v43;
	v15 =	vld.idx.msk [tilespmem:v15+s16+$0x0], $0xffff  }
0x1b7: {  	v14 =	vor.u32 v14, v13;
	_ =	sdelay $0x2  }
0x1b8: {  	s31 =	sadd.s32 $0xFFFFFFF9, s29  }
0x1b9: {  	v45 =	vmov s31;
	[tilespmem:v44+s19+$0x0] =	vst.idx.msk $0xffff, v15  }
0x1ba: {  	v46 =	vor.u32 s30, v4;
	v15 =	vshll.u32 v45, $0x9;
	v14 =	vld.idx.msk [tilespmem:v14+s16+$0x0], $0xffff  }
0x1bb: {  	v47 =	vor.u32 v8, v15;
	_ =	sdelay $0x1  }
0x1bc: {  	s30 =	sadd.s32 $0xFFFFFFFA, s29  }
0x1bd: {  	v48 =	vmov s30  }
0x1be: {  	v49 =	vshll.u32 v48, $0x9;
	[tilespmem:v46+s19+$0x0] =	vst.idx.msk $0xffff, v14  }
0x1bf: {  	v50 =	vor.u32 s31, v4;
	v14 =	vand.u32 $0x7000, v49;
	v8 =	vld.idx.msk [tilespmem:v47+s16+$0x0], $0xffff  }
0x1c0: {  	v6 =	vor.u32 v14, v6;
	_ =	sdelay $0x1  }
0x1c1: {  	s31 =	sadd.s32 $0xFFFFFFFB, s29  }
0x1c2: {  	v51 =	vmov s31  }
0x1c3: {  	v52 =	vshll.u32 v51, $0x9;
	[tilespmem:v50+s19+$0x0] =	vst.idx.msk $0xffff, v8  }
0x1c4: {  	v53 =	vor.u32 s30, v4;
	v8 =	vand.u32 $0x7000, v52;
	v6 =	vld.idx.msk [tilespmem:v6+s16+$0x0], $0xffff  }
0x1c5: {  	v7 =	vor.u32 v8, v7;
	_ =	sdelay $0x1  }
0x1c6: {  	s30 =	sadd.s32 $0xFFFFFFFC, s29  }
0x1c7: {  	v54 =	vmov s30  }
0x1c8: {  	[tilespmem:v53+s19+$0x0] =	vst.idx.msk $0xffff, v6;
	v6 =	vshll.u32 v54, $0x9  }
0x1c9: {  	v55 =	vor.u32 s31, v4;
	v7 =	vld.idx.msk [tilespmem:v7+s16+$0x0], $0xffff;
	v6 =	vand.u32 $0x7000, v6  }
0x1ca: {  	v6 =	vor.u32 v6, v9;
	_ =	sdelay $0x1  }
0x1cb: {  	s31 =	sadd.s32 $0xFFFFFFFD, s29  }
0x1cc: {  	v56 =	vmov s31  }
0x1cd: {  	[tilespmem:v55+s19+$0x0] =	vst.idx.msk $0xffff, v7;
	v7 =	vshll.u32 v56, $0x9  }
0x1ce: {  	v57 =	vor.u32 s30, v4;
	v6 =	vld.idx.msk [tilespmem:v6+s16+$0x0], $0xffff;
	v7 =	vand.u32 $0x7000, v7  }
0x1cf: {  	v7 =	vor.u32 v7, v10;
	_ =	sdelay $0x1  }
0x1d0: {  	s30 =	sadd.s32 $0xFFFFFFFE, s29  }
0x1d1: {  	v58 =	vmov s30  }
0x1d2: {  	[tilespmem:v57+s19+$0x0] =	vst.idx.msk $0xffff, v6;
	v6 =	vshll.u32 v58, $0x9  }
0x1d3: {  	v59 =	vor.u32 s31, v4;
	v7 =	vld.idx.msk [tilespmem:v7+s16+$0x0], $0xffff;
	v6 =	vand.u32 $0x7000, v6  }
0x1d4: {  	v6 =	vor.u32 v6, v11;
	_ =	sdelay $0x1  }
0x1d5: {  	s31 =	sadd.s32 $0xFFFFFFFF, s29  }
0x1d6: {  	v60 =	vmov s31  }
0x1d7: {  	[tilespmem:v59+s19+$0x0] =	vst.idx.msk $0xffff, v7;
	v7 =	vshll.u32 v60, $0x9  }
0x1d8: {  	v61 =	vor.u32 s30, v4;
	v6 =	vld.idx.msk [tilespmem:v6+s16+$0x0], $0xffff;
	v7 =	vand.u32 $0x7000, v7  }
0x1d9: {  	v7 =	vor.u32 v7, v12;
	_ =	sdelay $0x2  }
0x1da: {  	v62 =	vmov s29  }
0x1db: {  	[tilespmem:v61+s19+$0x0] =	vst.idx.msk $0xffff, v6;
	v6 =	vshll.u32 v62, $0x9  }
0x1dc: {  	v63 =	vor.u32 s31, v4;
	v7 =	vld.idx.msk [tilespmem:v7+s16+$0x0], $0xffff;
	v6 =	vand.u32 $0x7000, v6  }
0x1dd: {  	v6 =	vor.u32 v6, v13;
	_ =	sdelay $0x3  }
0x1de: {  	[tilespmem:v63+s19+$0x0] =	vst.idx.msk $0xffff, v7  }
0x1df: {  	v7 =	vor.u32 s29, v4;
	v6 =	vld.idx.msk [tilespmem:v6+s16+$0x0], $0xffff  }
0x1e0: {  	v5 =	vand.u32 $0x1FFF, v5;
	_ =	sdelay $0x1  }
0x1e1: {  	s26 =	sadd.s32 $0x1, s26  }
0x1e2: {  	p1 =	sne.s32 s26, s28  }
.Ltmp14:
0x1e3: {  	[tilespmem:v7+s19+$0x0] =	vst.idx.msk $0xffff, v6;
	(pc) =	sbr.rel @p1 .LBB2_16-.Ltmp14, $4  }
0x1e4: {  	[hbm4b:s4+s5] =	stream.indirect_vreg.scatter [tilespmem:s19], [sflag:$0x3], $0x80, v5, vm0, $0xb8;
	[tilespmem:$0x13900] =	vst v63  }
0x1e5: {  	_ =	swait.ge [sflag:s13], $0x800  }
0x1e6: {  	[sflag:s13] =	ssyncset.done $0x0  }
0x1e7: {  	[sflag:s13] =	ssyncadd.s32 $0xFFFFF800  }
.LBB2_19:
0x1e8: {  	s0 =	sadd.s32 s9, s24  }
0x1e9: {  	p1 =	sgt.u32 s0, $0xC2  }
0x1ea: {  	p2 =	sne.s32 @p1 s0, $0xC3  }
0x1eb: {  	p2 =	por p2, !p1  }
0x1ec: {  	s2 =	simm.s32 @!p2 $0x0;
	s26 =	simm.s32 @!p2 $0x3100  }
0x1ed: {  	[tilespmem:s26], [sflag:$0x1] =	stream.linear.gather @!p2 [hbm4b:s11+s2], $0x800, $0x38;
	[tilespmem:$0x13900] =	vst v63  }
0x1ee: {  	s28 =	simm.s32 @!p2 $0x4100;
	s26 =	sadd.s32 @!p2 $0x18700, s11  }
0x1ef: {  	[tilespmem:s28], [sflag:$0x1] =	stream.linear.gather @!p2 [hbm4b:s26+s2], $0x800, $0x38;
	[tilespmem:$0x13900] =	vst v63  }
0x1f0: {  	s26 =	sadd.s32 @!p2 $0x30E00, s11;
	s28 =	simm.s32 @!p2 $0x5100  }
0x1f1: {  	[tilespmem:s28], [sflag:$0x1] =	stream.linear.gather @!p2 [hbm4b:s26+s2], $0x800, $0x38;
	[tilespmem:$0x13900] =	vst v63  }
0x1f2: {  	s26 =	sadd.s32 @!p2 $0x49500, s11;
	s28 =	simm.s32 @!p2 $0x6100  }
0x1f3: {  	[tilespmem:s28], [sflag:$0x1] =	stream.linear.gather @!p2 [hbm4b:s26+s2], $0x800, $0x38;
	[tilespmem:$0x13900] =	vst v63  }
0x1f4: {  	s26 =	sadd.s32 @!p2 $0x61C00, s11;
	s28 =	simm.s32 @!p2 $0x7100  }
0x1f5: {  	[tilespmem:s28], [sflag:$0x1] =	stream.linear.gather @!p2 [hbm4b:s26+s2], $0x800, $0x38;
	[tilespmem:$0x13900] =	vst v63  }
0x1f6: {  	s26 =	sadd.s32 @!p2 $0x7A300, s11;
	s28 =	simm.s32 @!p2 $0x8100  }
0x1f7: {  	[tilespmem:s28], [sflag:$0x1] =	stream.linear.gather @!p2 [hbm4b:s26+s2], $0x800, $0x38;
	[tilespmem:$0x13900] =	vst v63  }
0x1f8: {  	s0 =	sshll.u32 @!p1 s0, $0x9;
	s26 =	sadd.s32 @!p2 $0x92A00, s11;
	s28 =	simm.s32 @!p2 $0x9100  }
0x1f9: {  	[tilespmem:s28], [sflag:$0x1] =	stream.linear.gather @!p2 [hbm4b:s26+s2], $0x800, $0x38;
	[tilespmem:$0x13900] =	vst v63  }
0x1fa: {  	s0 =	sadd.s32 @!p1 s1, s0;
	s26 =	sadd.s32 @!p2 $0xAB100, s11;
	s28 =	simm.s32 @!p2 $0xA100  }
0x1fb: {  	[tilespmem:s28], [sflag:$0x1] =	stream.linear.gather @!p2 [hbm4b:s26+s2], $0x800, $0x38;
	[tilespmem:$0x13900] =	vst v63  }
0x1fc: {  	s2 =	simm.s32 @!p1 $0x1000;
	s26 =	simm.s32 @!p1 $0xC3800;
	s28 =	simm.s32 @!p1 $0x3100  }
0x1fd: {  	[tilespmem:s28], [sflag:$0x1] =	stream.strided.gather @!p1 [hbm4b:s0+s2], $0x8000, s26, s2, $0x38;
	[tilespmem:$0x13900] =	vst v63  }
0x1fe: {  	s26 =	sor.u32 $0x20, s25  }
0x1ff: {  	p1 =	sgt.u32 s26, $0xC2  }
.Ltmp15:
0x200: {  	_ = 	snop;
	(pc) =	sbr.rel @p1 .LBB2_31-.Ltmp15, $1  }
0x201: {  	_ =	sdelay $0x3  }
.Ltmp16:
0x202: {  	(pc) =	sbr.rel @p0 .LBB2_27-.Ltmp16, $4  }
0x203: {  	_ = 	snop  }
0x204: {  	_ =	swait.ge [sflag:s20], $0x8000  }
0x205: {  	[sflag:s20] =	ssyncset.done $0x0  }
0x206: {  	s25 =	simm.s32 $0x0;
	s2 =	simm.s32 $0x0;
	[sflag:s20] =	ssyncadd.s32 $0xFFFF8000  }
0x207: {  	p2 =	sne.s32 s22, $0x1  }
.Ltmp17:
0x208: {  	_ = 	snop;
	(pc) =	sbr.rel @!p2 .LBB2_22-.Ltmp17, $3  }
0x209: {  	_ =	sdelay $0x1  }
0x20a: {  	s0 =	simm.s32 $0x1000  }
0x20b: {  	v6 =	vmov s26;
	s26 =	simm.s32 $0x0;
	s28 =	sadd.s32 $0xFFFFFFFF, s22;
	p1 =	por $0x0, $0x0;
	v5 =	vld [tilespmem:s0+$0x0]  }
0x20c: {  	_ =	sdelay $0x3  }
0x20d: {  	v7 =	vshra.s32 v5, $0x16  }
0x20e: {  	vm1 =	veq.s32 v7, v6  }
0x20f: {  	v7 =	vmpcnt.ones.xlane vm1;
	_ =	sdelay $0x1  }
0x210: {  	v7 =	vxor.u32 $0x80000000, v7  }
0x211: {  	(xrf0) =	vmax.scan.msk.u32 $0xffff, v7;
	_ =	sdelay $0x2  }
0x212: {  	p2 =	sne.s32 s28, $0x1  }
.Ltmp18:
0x213: {  	_ = 	snop;
	(pc) =	sbr.rel @!p2 .LBB2_24-.Ltmp18, $4  }
0x214: {  	_ = 	snop  }
0x215: {  	v7, _, _ =	vpop (xrf0)  }
0x216: {  	s2 =	simm.s32 $0x1010;
	[tilespmem:s26+$0x2080] =	vst.msk vm1, v5;
	(v2sf) =	vpush v7, $0xF  }
0x217: {  	s29 =	sadd.s32 $0xFFFFFFFF, s28;
	p1 =	por $0x1, $0x1;
	s28 =	simm.s32 $0x0;
	v5 =	vld [tilespmem:s2+$0x0]  }
.LBB2_25:
0x218: {  	p2 =	sne.s32 s29, $0x1;
	_ =	sdelay $0x3  }
0x219: {  	v7 =	vshra.s32 v5, $0x16  }
0x21a: {  	vm1 =	veq.s32 v7, v6  }
0x21b: {  	v7 =	vmpcnt.ones.xlane vm1;
	_ =	sdelay $0x1  }
0x21c: {  	v7 =	vxor.u32 $0x80000000, v7  }
0x21d: {  	(xrf0) =	vmax.scan.msk.u32 $0xffff, v7;
	_ =	sdelay $0x3  }
.Ltmp19:
0x21e: {  	s0 =	spop (v2sf);
	(pc) =	sbr.rel @p2 .LBB2_25-.Ltmp19, $4  }
0x21f: {  	s0 =	sadd.s32 s0, s28  }
0x220: {  	v7, _, _ =	vpop (xrf0);
	s28 =	sadd.s32 $0x80000000, s0  }
0x221: {  	s2 =	sadd.s32 $0x10, s2;
	[tilespmem:s28+$0x2080] =	vst.msk vm1, v5;
	(v2sf) =	vpush v7, $0xF  }
0x222: {  	s29 =	sadd.s32 $0xFFFFFFFF, s29;
	v5 =	vld [tilespmem:s2+$0x0]  }
.LBB2_26:
0x223: {  	_ =	sdelay $0x3  }
0x224: {  	v7 =	vshra.s32 v5, $0x16  }
0x225: {  	vm1 =	veq.s32 v7, v6  }
0x226: {  	v6 =	vmpcnt.ones.xlane vm1;
	_ =	sdelay $0x1  }
0x227: {  	v6 =	vxor.u32 $0x80000000, v6  }
0x228: {  	(xrf0) =	vmax.scan.msk.u32 $0xffff, v6;
	_ =	sdelay $0x5  }
0x229: {  	v6, _, _ =	vpop (xrf0)  }
0x22a: {  	(v2sf) =	vpush v6, $0xF;
	_ =	sdelay $0xb  }
0x22b: {  	s0 =	spop @p1 (v2sf)  }
0x22c: {  	s0 =	sadd.s32 @p1 s0, s28  }
0x22d: {  	s0 =	sadd.s32 @p1 $0x80000000, s0  }
0x22e: {  	s26 =	smov.u32 @p1 s0;
	s31 =	spop (v2sf)  }
0x22f: {  	s0 =	sadd.s32 s31, s26  }
0x230: {  	[tilespmem:s26+$0x2080] =	vst.msk vm1, v5;
	s2 =	sadd.s32 $0x80000000, s0  }
.LBB2_27:
0x231: {  	s0 =	sadd.s32 $0xF, s2  }
0x232: {  	s26 =	sand.u32 $0xF, s0  }
0x233: {  	s28 =	sshra.s32 s0, $0x1F;
	p1 =	slt.s32 s0, $0x1;
	p2 =	sne.s32 s26, $0x0  }
0x234: {  	s31 =	sshrl.u32 s28, $0x1C;
	p1 =	por !p1, !p2  }
0x235: {  	s26 =	simm.s32 $0x1;
	s0 =	sadd.s32 s31, s0;
	p1 =	por !p1, !p1  }
0x236: {  	s0 =	sshra.s32 s0, $0x4;
	s26 =	simm.s32 @!p1 $0x0  }
0x237: {  	s26 =	ssub.s32 s0, s26  }
0x238: {  	p1 =	slt.s32 s26, $0x1  }
.Ltmp20:
0x239: {  	_ = 	snop;
	(pc) =	sbr.rel @p1 .LBB2_31-.Ltmp20, $2  }
0x23a: {  	_ =	sdelay $0x2  }
0x23b: {  	[tilespmem:s2+$0x2080] =	vst v3  }
.LBB2_28:
0x23c: {  	s0 =	sshll.u32 s25, $0x6  }
0x23d: {  	s0 =	sshra.s32 s0, $0x2  }
0x23e: {  	v5 =	vld [tilespmem:s0+$0x2080];
	_ =	sdelay $0x4  }
0x23f: {  	s31 =	simm.s32 $0x0;
	v6 =	vshrl.u32 v5, $0xD;
	v7 =	vshrl.u32 v5, $0xA  }
0x240: {  	v9 =	vmov s31;
	v6 =	vand.u32 $0x7F, v6;
	v7 =	vand.u32 $0xC00, v7  }
0x241: {  	v8 =	vor.u32 v7, v6;
	v6 =	vshll.u32 v9, $0x9  }
0x242: {  	v7 =	vor.u32 v8, v6;
	_ =	sdelay $0x1  }
0x243: {  	s2 =	simm.s32 $0x1  }
0x244: {  	v6 =	vmov s2  }
0x245: {  	v9 =	vshll.u32 v6, $0x9  }
0x246: {  	v10 =	vor.u32 s31, v4;
	v6 =	vor.u32 $0x80, v8;
	v9 =	vand.u32 $0x6000, v9;
	v7 =	vld.idx.msk [tilespmem:v7+s17+$0x0], $0xffff  }
0x247: {  	v9 =	vor.u32 v9, v6;
	_ =	sdelay $0x1  }
0x248: {  	s31 =	simm.s32 $0x2  }
0x249: {  	v11 =	vmov s31  }
0x24a: {  	[tilespmem:v10+s19+$0x0] =	vst.idx.msk $0xffff, v7;
	v10 =	vshll.u32 v11, $0x9  }
0x24b: {  	v7 =	vor.u32 $0x100, v8;
	v11 =	vor.u32 s2, v4;
	v9 =	vld.idx.msk [tilespmem:v9+s17+$0x0], $0xffff;
	v10 =	vand.u32 $0x6000, v10  }
0x24c: {  	v10 =	vor.u32 v10, v7;
	_ =	sdelay $0x1  }
0x24d: {  	s2 =	simm.s32 $0x3  }
0x24e: {  	v12 =	vmov s2  }
0x24f: {  	[tilespmem:v11+s19+$0x0] =	vst.idx.msk $0xffff, v9;
	v11 =	vshll.u32 v12, $0x9  }
0x250: {  	v9 =	vor.u32 $0x180, v8;
	v12 =	vor.u32 s31, v4;
	v10 =	vld.idx.msk [tilespmem:v10+s17+$0x0], $0xffff;
	v11 =	vand.u32 $0x6000, v11  }
0x251: {  	v11 =	vor.u32 v11, v9;
	_ =	sdelay $0x1  }
0x252: {  	s31 =	simm.s32 $0x4  }
0x253: {  	v13 =	vmov s31  }
0x254: {  	[tilespmem:v12+s19+$0x0] =	vst.idx.msk $0xffff, v10;
	v12 =	vshll.u32 v13, $0x9  }
0x255: {  	v10 =	vor.u32 $0x200, v8;
	v13 =	vor.u32 s2, v4;
	v11 =	vld.idx.msk [tilespmem:v11+s17+$0x0], $0xffff;
	v12 =	vand.u32 $0x6000, v12  }
0x256: {  	v12 =	vor.u32 v12, v10;
	_ =	sdelay $0x1  }
0x257: {  	s2 =	simm.s32 $0x5  }
0x258: {  	v14 =	vmov s2  }
0x259: {  	[tilespmem:v13+s19+$0x0] =	vst.idx.msk $0xffff, v11;
	v13 =	vshll.u32 v14, $0x9  }
0x25a: {  	v11 =	vor.u32 $0x280, v8;
	v14 =	vor.u32 s31, v4;
	v12 =	vld.idx.msk [tilespmem:v12+s17+$0x0], $0xffff;
	v13 =	vand.u32 $0x6000, v13  }
0x25b: {  	v13 =	vor.u32 v13, v11;
	_ =	sdelay $0x1  }
0x25c: {  	s31 =	simm.s32 $0x6  }
0x25d: {  	v15 =	vmov s31  }
0x25e: {  	[tilespmem:v14+s19+$0x0] =	vst.idx.msk $0xffff, v12;
	v14 =	vshll.u32 v15, $0x9  }
0x25f: {  	v12 =	vor.u32 $0x300, v8;
	v15 =	vor.u32 s2, v4;
	v13 =	vld.idx.msk [tilespmem:v13+s17+$0x0], $0xffff;
	v14 =	vand.u32 $0x6000, v14  }
0x260: {  	v14 =	vor.u32 v14, v12;
	_ =	sdelay $0x1  }
0x261: {  	s2 =	simm.s32 $0x7  }
0x262: {  	v16 =	vmov s2  }
0x263: {  	[tilespmem:v15+s19+$0x0] =	vst.idx.msk $0xffff, v13;
	v15 =	vshll.u32 v16, $0x9  }
0x264: {  	v50 =	vor.u32 s31, v4;
	v13 =	vor.u32 $0x380, v8;
	v14 =	vld.idx.msk [tilespmem:v14+s17+$0x0], $0xffff;
	v15 =	vand.u32 $0x6000, v15  }
0x265: {  	v15 =	vor.u32 v15, v13;
	_ =	sdelay $0x2  }
0x266: {  	s31 =	simm.s32 $0x8  }
0x267: {  	[tilespmem:v50+s19+$0x0] =	vst.idx.msk $0xffff, v14;
	v14 =	vmov s31  }
0x268: {  	v51 =	vor.u32 s2, v4;
	v15 =	vld.idx.msk [tilespmem:v15+s17+$0x0], $0xffff;
	v14 =	vshll.u32 v14, $0x9  }
0x269: {  	v14 =	vor.u32 v8, v14;
	_ =	sdelay $0x1  }
0x26a: {  	s2 =	simm.s32 $0x9  }
0x26b: {  	v17 =	vmov s2  }
0x26c: {  	[tilespmem:v51+s19+$0x0] =	vst.idx.msk $0xffff, v15;
	v15 =	vshll.u32 v17, $0x9  }
0x26d: {  	v52 =	vor.u32 s31, v4;
	v14 =	vld.idx.msk [tilespmem:v14+s17+$0x0], $0xffff;
	v15 =	vand.u32 $0x7000, v15  }
0x26e: {  	v15 =	vor.u32 v15, v6;
	_ =	sdelay $0x1  }
0x26f: {  	s31 =	simm.s32 $0xA  }
0x270: {  	v53 =	vmov s31  }
0x271: {  	[tilespmem:v52+s19+$0x0] =	vst.idx.msk $0xffff, v14;
	v14 =	vshll.u32 v53, $0x9  }
0x272: {  	v54 =	vor.u32 s2, v4;
	v15 =	vld.idx.msk [tilespmem:v15+s17+$0x0], $0xffff;
	v14 =	vand.u32 $0x7000, v14  }
0x273: {  	v14 =	vor.u32 v14, v7;
	_ =	sdelay $0x1  }
0x274: {  	s2 =	simm.s32 $0xB  }
0x275: {  	v55 =	vmov s2  }
0x276: {  	[tilespmem:v54+s19+$0x0] =	vst.idx.msk $0xffff, v15;
	v15 =	vshll.u32 v55, $0x9  }
0x277: {  	v56 =	vor.u32 s31, v4;
	v14 =	vld.idx.msk [tilespmem:v14+s17+$0x0], $0xffff;
	v15 =	vand.u32 $0x7000, v15  }
0x278: {  	v15 =	vor.u32 v15, v9;
	_ =	sdelay $0x1  }
0x279: {  	s31 =	simm.s32 $0xC  }
0x27a: {  	v57 =	vmov s31  }
0x27b: {  	[tilespmem:v56+s19+$0x0] =	vst.idx.msk $0xffff, v14;
	v14 =	vshll.u32 v57, $0x9  }
0x27c: {  	v58 =	vor.u32 s2, v4;
	v15 =	vld.idx.msk [tilespmem:v15+s17+$0x0], $0xffff;
	v14 =	vand.u32 $0x7000, v14  }
0x27d: {  	v14 =	vor.u32 v14, v10;
	_ =	sdelay $0x1  }
0x27e: {  	s2 =	simm.s32 $0xD  }
0x27f: {  	v59 =	vmov s2  }
0x280: {  	[tilespmem:v58+s19+$0x0] =	vst.idx.msk $0xffff, v15;
	v15 =	vshll.u32 v59, $0x9  }
0x281: {  	v60 =	vor.u32 s31, v4;
	v14 =	vld.idx.msk [tilespmem:v14+s17+$0x0], $0xffff;
	v15 =	vand.u32 $0x7000, v15  }
0x282: {  	v15 =	vor.u32 v15, v11;
	_ =	sdelay $0x1  }
0x283: {  	s31 =	simm.s32 $0xE  }
0x284: {  	v61 =	vmov s31  }
0x285: {  	[tilespmem:v60+s19+$0x0] =	vst.idx.msk $0xffff, v14;
	v14 =	vshll.u32 v61, $0x9  }
0x286: {  	v62 =	vor.u32 s2, v4;
	v15 =	vld.idx.msk [tilespmem:v15+s17+$0x0], $0xffff;
	v14 =	vand.u32 $0x7000, v14  }
0x287: {  	v14 =	vor.u32 v14, v12;
	_ =	sdelay $0x3  }
0x288: {  	s29 =	simm.s32 $0xF;
	[tilespmem:v62+s19+$0x0] =	vst.idx.msk $0xffff, v15  }
0x289: {  	v15 =	vld.idx.msk [tilespmem:v14+s17+$0x0], $0xffff;
	v14 =	vmov s29  }
0x28a: {  	v14 =	vshll.u32 v14, $0x9  }
0x28b: {  	v63 =	vor.u32 s31, v4;
	v14 =	vand.u32 $0x7000, v14  }
0x28c: {  	v14 =	vor.u32 v14, v13;
	_ =	sdelay $0x3  }
0x28d: {  	s28 =	simm.s32 $0x1F;
	s30 =	simm.s32 $0x2F;
	s2 =	simm.s32 $0x10;
	[tilespmem:v63+s19+$0x0] =	vst.idx.msk $0xffff, v15  }
.LBB2_29:
0x28e: {  	p1 =	sne.s32 s30, $0x3F;
	v15 =	vmov s2;
	v14 =	vld.idx.msk [tilespmem:v14+s17+$0x0], $0xffff  }
0x28f: {  	v16 =	vor.u32 s29, v4;
	s29 =	smov.u32 s28;
	s28 =	smov.u32 s30;
	v15 =	vshll.u32 v15, $0x9  }
0x290: {  	v15 =	vor.u32 v8, v15;
	_ =	sdelay $0x2  }
0x291: {  	s0 =	sadd.s32 $0xFFFFFFF2, s29  }
0x292: {  	v17 =	vmov s0;
	[tilespmem:v16+s19+$0x0] =	vst.idx.msk $0xffff, v14  }
0x293: {  	v14 =	vld.idx.msk [tilespmem:v15+s17+$0x0], $0xffff;
	v15 =	vshll.u32 v17, $0x9  }
0x294: {  	v16 =	vor.u32 s2, v4;
	v15 =	vand.u32 $0x6000, v15  }
0x295: {  	v15 =	vor.u32 v15, v6;
	_ =	sdelay $0x2  }
0x296: {  	s2 =	sadd.s32 $0xFFFFFFF3, s29  }
0x297: {  	[tilespmem:v16+s19+$0x0] =	vst.idx.msk $0xffff, v14;
	v14 =	vmov s2  }
0x298: {  	v15 =	vld.idx.msk [tilespmem:v15+s17+$0x0], $0xffff;
	v14 =	vshll.u32 v14, $0x9  }
0x299: {  	v16 =	vor.u32 s0, v4;
	v14 =	vand.u32 $0x6000, v14  }
0x29a: {  	v14 =	vor.u32 v14, v7;
	_ =	sdelay $0x2  }
0x29b: {  	s0 =	sadd.s32 $0xFFFFFFF4, s29  }
0x29c: {  	[tilespmem:v16+s19+$0x0] =	vst.idx.msk $0xffff, v15;
	v15 =	vmov s0  }
0x29d: {  	v14 =	vld.idx.msk [tilespmem:v14+s17+$0x0], $0xffff;
	v15 =	vshll.u32 v15, $0x9  }
0x29e: {  	v16 =	vor.u32 s2, v4;
	v15 =	vand.u32 $0x6000, v15  }
0x29f: {  	v15 =	vor.u32 v15, v9;
	_ =	sdelay $0x2  }
0x2a0: {  	s2 =	sadd.s32 $0xFFFFFFF5, s29  }
0x2a1: {  	[tilespmem:v16+s19+$0x0] =	vst.idx.msk $0xffff, v14;
	v14 =	vmov s2  }
0x2a2: {  	v15 =	vld.idx.msk [tilespmem:v15+s17+$0x0], $0xffff;
	v14 =	vshll.u32 v14, $0x9  }
0x2a3: {  	v16 =	vor.u32 s0, v4;
	v14 =	vand.u32 $0x6000, v14  }
0x2a4: {  	v14 =	vor.u32 v14, v10;
	_ =	sdelay $0x2  }
0x2a5: {  	s0 =	sadd.s32 $0xFFFFFFF6, s29  }
0x2a6: {  	[tilespmem:v16+s19+$0x0] =	vst.idx.msk $0xffff, v15;
	v15 =	vmov s0  }
0x2a7: {  	v14 =	vld.idx.msk [tilespmem:v14+s17+$0x0], $0xffff;
	v15 =	vshll.u32 v15, $0x9  }
0x2a8: {  	v16 =	vor.u32 s2, v4;
	v15 =	vand.u32 $0x6000, v15  }
0x2a9: {  	v15 =	vor.u32 v15, v11;
	_ =	sdelay $0x2  }
0x2aa: {  	s2 =	sadd.s32 $0xFFFFFFF7, s29  }
0x2ab: {  	[tilespmem:v16+s19+$0x0] =	vst.idx.msk $0xffff, v14;
	v14 =	vmov s2  }
0x2ac: {  	v15 =	vld.idx.msk [tilespmem:v15+s17+$0x0], $0xffff;
	v14 =	vshll.u32 v14, $0x9  }
0x2ad: {  	v16 =	vor.u32 s0, v4;
	v14 =	vand.u32 $0x6000, v14  }
0x2ae: {  	v14 =	vor.u32 v14, v12;
	_ =	sdelay $0x2  }
0x2af: {  	s0 =	sadd.s32 $0xFFFFFFF8, s29  }
0x2b0: {  	[tilespmem:v16+s19+$0x0] =	vst.idx.msk $0xffff, v15;
	v15 =	vmov s0  }
0x2b1: {  	v14 =	vld.idx.msk [tilespmem:v14+s17+$0x0], $0xffff;
	v15 =	vshll.u32 v15, $0x9  }
0x2b2: {  	v16 =	vor.u32 s2, v4;
	v15 =	vand.u32 $0x6000, v15  }
0x2b3: {  	v15 =	vor.u32 v15, v13;
	_ =	sdelay $0x3  }
0x2b4: {  	s2 =	sadd.s32 $0xFFFFFFF9, s29;
	[tilespmem:v16+s19+$0x0] =	vst.idx.msk $0xffff, v14  }
0x2b5: {  	v14 =	vld.idx.msk [tilespmem:v15+s17+$0x0], $0xffff;
	v15 =	vmov s2  }
0x2b6: {  	v16 =	vor.u32 s0, v4;
	v15 =	vshll.u32 v15, $0x9  }
0x2b7: {  	v15 =	vor.u32 v8, v15;
	_ =	sdelay $0x2  }
0x2b8: {  	s0 =	sadd.s32 $0xFFFFFFFA, s29  }
0x2b9: {  	[tilespmem:v16+s19+$0x0] =	vst.idx.msk $0xffff, v14;
	v14 =	vmov s0  }
0x2ba: {  	v15 =	vld.idx.msk [tilespmem:v15+s17+$0x0], $0xffff;
	v14 =	vshll.u32 v14, $0x9  }
0x2bb: {  	v16 =	vor.u32 s2, v4;
	v14 =	vand.u32 $0x7000, v14  }
0x2bc: {  	v14 =	vor.u32 v14, v6;
	_ =	sdelay $0x2  }
0x2bd: {  	s2 =	sadd.s32 $0xFFFFFFFB, s29  }
0x2be: {  	[tilespmem:v16+s19+$0x0] =	vst.idx.msk $0xffff, v15;
	v15 =	vmov s2  }
0x2bf: {  	v14 =	vld.idx.msk [tilespmem:v14+s17+$0x0], $0xffff;
	v15 =	vshll.u32 v15, $0x9  }
0x2c0: {  	v16 =	vor.u32 s0, v4;
	v15 =	vand.u32 $0x7000, v15  }
0x2c1: {  	v15 =	vor.u32 v15, v7;
	_ =	sdelay $0x2  }
0x2c2: {  	s0 =	sadd.s32 $0xFFFFFFFC, s29  }
0x2c3: {  	[tilespmem:v16+s19+$0x0] =	vst.idx.msk $0xffff, v14;
	v14 =	vmov s0  }
0x2c4: {  	v15 =	vld.idx.msk [tilespmem:v15+s17+$0x0], $0xffff;
	v14 =	vshll.u32 v14, $0x9  }
0x2c5: {  	v16 =	vor.u32 s2, v4;
	v14 =	vand.u32 $0x7000, v14  }
0x2c6: {  	v14 =	vor.u32 v14, v9;
	_ =	sdelay $0x2  }
0x2c7: {  	s2 =	sadd.s32 $0xFFFFFFFD, s29  }
0x2c8: {  	[tilespmem:v16+s19+$0x0] =	vst.idx.msk $0xffff, v15;
	v15 =	vmov s2  }
0x2c9: {  	v14 =	vld.idx.msk [tilespmem:v14+s17+$0x0], $0xffff;
	v15 =	vshll.u32 v15, $0x9  }
0x2ca: {  	v16 =	vor.u32 s0, v4;
	v15 =	vand.u32 $0x7000, v15  }
0x2cb: {  	v15 =	vor.u32 v15, v10;
	_ =	sdelay $0x2  }
0x2cc: {  	s0 =	sadd.s32 $0xFFFFFFFE, s29  }
0x2cd: {  	[tilespmem:v16+s19+$0x0] =	vst.idx.msk $0xffff, v14;
	v14 =	vmov s0  }
0x2ce: {  	v15 =	vld.idx.msk [tilespmem:v15+s17+$0x0], $0xffff;
	v14 =	vshll.u32 v14, $0x9  }
0x2cf: {  	v16 =	vor.u32 s2, v4;
	v14 =	vand.u32 $0x7000, v14  }
0x2d0: {  	v14 =	vor.u32 v14, v11;
	_ =	sdelay $0x2  }
0x2d1: {  	s2 =	sadd.s32 $0xFFFFFFFF, s29  }
0x2d2: {  	[tilespmem:v16+s19+$0x0] =	vst.idx.msk $0xffff, v15;
	v15 =	vmov s2  }
0x2d3: {  	v14 =	vld.idx.msk [tilespmem:v14+s17+$0x0], $0xffff;
	v15 =	vshll.u32 v15, $0x9  }
0x2d4: {  	v16 =	vor.u32 s0, v4;
	v15 =	vand.u32 $0x7000, v15  }
0x2d5: {  	v15 =	vor.u32 v15, v12;
	_ =	sdelay $0x3  }
0x2d6: {  	[tilespmem:v16+s19+$0x0] =	vst.idx.msk $0xffff, v14;
	v14 =	vmov s29  }
0x2d7: {  	v15 =	vld.idx.msk [tilespmem:v15+s17+$0x0], $0xffff;
	v14 =	vshll.u32 v14, $0x9  }
0x2d8: {  	v16 =	vor.u32 s2, v4;
	v14 =	vand.u32 $0x7000, v14  }
.Ltmp21:
0x2d9: {  	v14 =	vor.u32 v14, v13;
	(pc) =	sbr.rel @p1 .LBB2_29-.Ltmp21, $2  }
0x2da: {  	_ =	sdelay $0x2  }
0x2db: {  	s30 =	sadd.s32 $0x10, s30;
	s2 =	sadd.s32 $0xFFFFFFF1, s28;
	[tilespmem:v16+s19+$0x0] =	vst.idx.msk $0xffff, v15  }
0x2dc: {  	_ =	sdelay $0x2  }
0x2dd: {  	v15 =	vmov s2  }
0x2de: {  	v14 =	vld.idx.msk [tilespmem:v14+s17+$0x0], $0xffff;
	v16 =	vor.u32 s29, v4;
	v15 =	vshll.u32 v15, $0x9  }
0x2df: {  	v15 =	vor.u32 v8, v15;
	_ =	sdelay $0x1  }
0x2e0: {  	s0 =	sadd.s32 $0xFFFFFFF2, s28  }
0x2e1: {  	v17 =	vmov s0  }
0x2e2: {  	v25 =	vshll.u32 v17, $0x9;
	[tilespmem:v16+s19+$0x0] =	vst.idx.msk $0xffff, v14  }
0x2e3: {  	v26 =	vor.u32 s2, v4;
	v14 =	vand.u32 $0x6000, v25;
	v15 =	vld.idx.msk [tilespmem:v15+s17+$0x0], $0xffff  }
0x2e4: {  	v14 =	vor.u32 v14, v6;
	_ =	sdelay $0x1  }
0x2e5: {  	s31 =	sadd.s32 $0xFFFFFFF3, s28  }
0x2e6: {  	v27 =	vmov s31  }
0x2e7: {  	v28 =	vshll.u32 v27, $0x9;
	[tilespmem:v26+s19+$0x0] =	vst.idx.msk $0xffff, v15  }
0x2e8: {  	v29 =	vor.u32 s0, v4;
	v15 =	vand.u32 $0x6000, v28;
	v14 =	vld.idx.msk [tilespmem:v14+s17+$0x0], $0xffff  }
0x2e9: {  	v15 =	vor.u32 v15, v7;
	_ =	sdelay $0x1  }
0x2ea: {  	s29 =	sadd.s32 $0xFFFFFFF4, s28  }
0x2eb: {  	v30 =	vmov s29  }
0x2ec: {  	v31 =	vshll.u32 v30, $0x9;
	[tilespmem:v29+s19+$0x0] =	vst.idx.msk $0xffff, v14  }
0x2ed: {  	v32 =	vor.u32 s31, v4;
	v14 =	vand.u32 $0x6000, v31;
	v15 =	vld.idx.msk [tilespmem:v15+s17+$0x0], $0xffff  }
0x2ee: {  	v14 =	vor.u32 v14, v9;
	_ =	sdelay $0x1  }
0x2ef: {  	s30 =	sadd.s32 $0xFFFFFFF5, s28  }
0x2f0: {  	v33 =	vmov s30  }
0x2f1: {  	v34 =	vshll.u32 v33, $0x9;
	[tilespmem:v32+s19+$0x0] =	vst.idx.msk $0xffff, v15  }
0x2f2: {  	v35 =	vor.u32 s29, v4;
	v15 =	vand.u32 $0x6000, v34;
	v14 =	vld.idx.msk [tilespmem:v14+s17+$0x0], $0xffff  }
0x2f3: {  	v15 =	vor.u32 v15, v10;
	_ =	sdelay $0x1  }
0x2f4: {  	s31 =	sadd.s32 $0xFFFFFFF6, s28  }
0x2f5: {  	v36 =	vmov s31  }
0x2f6: {  	v37 =	vshll.u32 v36, $0x9;
	[tilespmem:v35+s19+$0x0] =	vst.idx.msk $0xffff, v14  }
0x2f7: {  	v38 =	vor.u32 s30, v4;
	v14 =	vand.u32 $0x6000, v37;
	v15 =	vld.idx.msk [tilespmem:v15+s17+$0x0], $0xffff  }
0x2f8: {  	v14 =	vor.u32 v14, v11;
	_ =	sdelay $0x1  }
0x2f9: {  	s29 =	sadd.s32 $0xFFFFFFF7, s28  }
0x2fa: {  	v39 =	vmov s29  }
0x2fb: {  	v40 =	vshll.u32 v39, $0x9;
	[tilespmem:v38+s19+$0x0] =	vst.idx.msk $0xffff, v15  }
0x2fc: {  	v41 =	vor.u32 s31, v4;
	v15 =	vand.u32 $0x6000, v40;
	v14 =	vld.idx.msk [tilespmem:v14+s17+$0x0], $0xffff  }
0x2fd: {  	v15 =	vor.u32 v15, v12;
	_ =	sdelay $0x1  }
0x2fe: {  	s30 =	sadd.s32 $0xFFFFFFF8, s28  }
0x2ff: {  	v42 =	vmov s30  }
0x300: {  	v43 =	vshll.u32 v42, $0x9;
	[tilespmem:v41+s19+$0x0] =	vst.idx.msk $0xffff, v14  }
0x301: {  	v44 =	vor.u32 s29, v4;
	v14 =	vand.u32 $0x6000, v43;
	v15 =	vld.idx.msk [tilespmem:v15+s17+$0x0], $0xffff  }
0x302: {  	v14 =	vor.u32 v14, v13;
	_ =	sdelay $0x2  }
0x303: {  	s31 =	sadd.s32 $0xFFFFFFF9, s28  }
0x304: {  	v45 =	vmov s31;
	[tilespmem:v44+s19+$0x0] =	vst.idx.msk $0xffff, v15  }
0x305: {  	v46 =	vor.u32 s30, v4;
	v15 =	vshll.u32 v45, $0x9;
	v14 =	vld.idx.msk [tilespmem:v14+s17+$0x0], $0xffff  }
0x306: {  	v47 =	vor.u32 v8, v15;
	_ =	sdelay $0x1  }
0x307: {  	s29 =	sadd.s32 $0xFFFFFFFA, s28  }
0x308: {  	v48 =	vmov s29  }
0x309: {  	v49 =	vshll.u32 v48, $0x9;
	[tilespmem:v46+s19+$0x0] =	vst.idx.msk $0xffff, v14  }
0x30a: {  	v50 =	vor.u32 s31, v4;
	v14 =	vand.u32 $0x7000, v49;
	v8 =	vld.idx.msk [tilespmem:v47+s17+$0x0], $0xffff  }
0x30b: {  	v6 =	vor.u32 v14, v6;
	_ =	sdelay $0x1  }
0x30c: {  	s30 =	sadd.s32 $0xFFFFFFFB, s28  }
0x30d: {  	v51 =	vmov s30  }
0x30e: {  	v52 =	vshll.u32 v51, $0x9;
	[tilespmem:v50+s19+$0x0] =	vst.idx.msk $0xffff, v8  }
0x30f: {  	v53 =	vor.u32 s29, v4;
	v8 =	vand.u32 $0x7000, v52;
	v6 =	vld.idx.msk [tilespmem:v6+s17+$0x0], $0xffff  }
0x310: {  	v7 =	vor.u32 v8, v7;
	_ =	sdelay $0x1  }
0x311: {  	s31 =	sadd.s32 $0xFFFFFFFC, s28  }
0x312: {  	v54 =	vmov s31  }
0x313: {  	[tilespmem:v53+s19+$0x0] =	vst.idx.msk $0xffff, v6;
	v6 =	vshll.u32 v54, $0x9  }
0x314: {  	v55 =	vor.u32 s30, v4;
	v7 =	vld.idx.msk [tilespmem:v7+s17+$0x0], $0xffff;
	v6 =	vand.u32 $0x7000, v6  }
0x315: {  	v6 =	vor.u32 v6, v9;
	_ =	sdelay $0x1  }
0x316: {  	s29 =	sadd.s32 $0xFFFFFFFD, s28  }
0x317: {  	v56 =	vmov s29  }
0x318: {  	[tilespmem:v55+s19+$0x0] =	vst.idx.msk $0xffff, v7;
	v7 =	vshll.u32 v56, $0x9  }
0x319: {  	v57 =	vor.u32 s31, v4;
	v6 =	vld.idx.msk [tilespmem:v6+s17+$0x0], $0xffff;
	v7 =	vand.u32 $0x7000, v7  }
0x31a: {  	v7 =	vor.u32 v7, v10;
	_ =	sdelay $0x1  }
0x31b: {  	s30 =	sadd.s32 $0xFFFFFFFE, s28  }
0x31c: {  	v58 =	vmov s30  }
0x31d: {  	[tilespmem:v57+s19+$0x0] =	vst.idx.msk $0xffff, v6;
	v6 =	vshll.u32 v58, $0x9  }
0x31e: {  	v59 =	vor.u32 s29, v4;
	v7 =	vld.idx.msk [tilespmem:v7+s17+$0x0], $0xffff;
	v6 =	vand.u32 $0x7000, v6  }
0x31f: {  	v6 =	vor.u32 v6, v11;
	_ =	sdelay $0x1  }
0x320: {  	s31 =	sadd.s32 $0xFFFFFFFF, s28  }
0x321: {  	v60 =	vmov s31  }
0x322: {  	[tilespmem:v59+s19+$0x0] =	vst.idx.msk $0xffff, v7;
	v7 =	vshll.u32 v60, $0x9  }
0x323: {  	v61 =	vor.u32 s30, v4;
	v6 =	vld.idx.msk [tilespmem:v6+s17+$0x0], $0xffff;
	v7 =	vand.u32 $0x7000, v7  }
0x324: {  	v7 =	vor.u32 v7, v12;
	_ =	sdelay $0x2  }
0x325: {  	v62 =	vmov s28  }
0x326: {  	[tilespmem:v61+s19+$0x0] =	vst.idx.msk $0xffff, v6;
	v6 =	vshll.u32 v62, $0x9  }
0x327: {  	v63 =	vor.u32 s31, v4;
	v7 =	vld.idx.msk [tilespmem:v7+s17+$0x0], $0xffff;
	v6 =	vand.u32 $0x7000, v6  }
0x328: {  	v6 =	vor.u32 v6, v13;
	_ =	sdelay $0x3  }
0x329: {  	[tilespmem:v63+s19+$0x0] =	vst.idx.msk $0xffff, v7  }
0x32a: {  	v7 =	vor.u32 s28, v4;
	v6 =	vld.idx.msk [tilespmem:v6+s17+$0x0], $0xffff  }
0x32b: {  	v5 =	vand.u32 $0x1FFF, v5;
	_ =	sdelay $0x2  }
0x32c: {  	s25 =	sadd.s32 $0x1, s25  }
0x32d: {  	p1 =	sne.s32 s25, s26;
	[tilespmem:v7+s19+$0x0] =	vst.idx.msk $0xffff, v6  }
0x32e: {  	[hbm4b:s4+s5] =	stream.indirect_vreg.scatter [tilespmem:s19], [sflag:$0x3], $0x80, v5, vm0, $0xb8;
	[tilespmem:$0x13900] =	vst v63  }
.Ltmp22:
0x32f: {  	_ = 	snop;
	(pc) =	sbr.rel @p1 .LBB2_28-.Ltmp22, $4  }
.Ltmp23:
0x330: {  	_ = 	snop;
	(pc) =	sbr.rel @!p1 .LBB2_31-.Ltmp23, $4  }
0x331: {  	_ =	swait.ge [sflag:s13], $0x800  }
0x332: {  	[sflag:s13] =	ssyncset.done $0x0  }
0x333: {  	[sflag:s13] =	ssyncadd.s32 $0xFFFFF800  }
0x334: {  	_ = 	snop  }
.LBB2_10:
.Ltmp24:
0x335: {  	(pc) =	sbr.rel .LBB2_14-.Ltmp24, $2  }
0x336: {  	_ =	sdelay $0x2  }
0x337: {  	s29 =	simm.s32 $0x0  }
.LBB2_12:
.Ltmp25:
0x338: {  	(pc) =	sbr.rel .LBB2_14-.Ltmp25, $2  }
0x339: {  	_ =	sdelay $0x2  }
0x33a: {  	s29 =	simm.s32 $0x0  }
.LBB2_22:
.Ltmp26:
0x33b: {  	(pc) =	sbr.rel .LBB2_26-.Ltmp26, $2  }
0x33c: {  	_ =	sdelay $0x2  }
0x33d: {  	s28 =	simm.s32 $0x0  }
.LBB2_24:
.Ltmp27:
0x33e: {  	(pc) =	sbr.rel .LBB2_26-.Ltmp27, $2  }
0x33f: {  	_ =	sdelay $0x2  }
0x340: {  	s28 =	simm.s32 $0x0  }
.LBB2_33:
0x341: {  	_ =	sfence.sel $0x180000  }
0x342: {  	[bflag:$0x0] =	sbarrier.arrive $0xFFFF  }
0x343: {  	_ =	strace $0x90000047  }
0x344: {  	s0 =	stileid.u32;
	[bflag:$0x2] =	sbarrier.arrive $0xFFFF  }
0x345: {  	p0 =	sne.s32 s0, $0x0;
	s0 =	rddreg [dreg:$0x3]  }
0x346: {  	s0 =	sadd.s32 @!p0 $0x100000, s0  }
0x347: {  	[sflag:s0] =	ssyncadd.tile.s32 @!p0 $0x1;
	_ =	shalt  }
.Lfunc_end2:
_tile_overlayer_lowered:
.L_overlay_start_2:
0x348: {  	(tag) =	ssettag $0x2  }
0x349: {  	s0 =	rddreg [dreg:$0x0];
	s2 =	stileid.u32  }
0x34a: {  	s1 =	rddreg [dreg:$0x1];
	p0 =	sne.s32 s2, $0x0  }
0x34b: {  	s3 =	rddreg [dreg:$0x2];
	[bflag:$0x3] =	sbarrier.arrive $0xFFFF;
	s2 =	simm.s32 @!p0 $0x1C03  }
0x34c: {  	[timem:s3], [sflag:s2] =	dma.local @!p0 [hbm:s0], s1  }
0x34d: {  	s0 =	simm.s32 @!p0 $0x3  }
0x34e: {  	_ =	swait.ge @!p0 [sflag:s0], s1  }
0x34f: {  	s1 =	ssub.s32 @!p0 $0x0, s1;
	[sflag:s0] =	ssyncset.done @!p0 $0x0  }
0x350: {  	[sflag:s0] =	ssyncadd.s32 @!p0 s1  }
0x351: {  	[bflag:$0x3] =	sbarrier.arrive $0xFFFF  }
0x352: {  	_ =	shalt  }

</sc_bundles>
